<compile_context>
chip_gen: v7x
topology: tpu7x:2x2x1
jax: 0.10.2.dev20260603
libtpu: 0.0.44.dev20260713+nightly
codegen_flags: <defaults>
</compile_context>

<pallas_src>
import functools

import jax
import jax.numpy as jnp
from jax import lax
from jax.experimental import pallas as pl
from jax.experimental.pallas import tpu as pltpu
from jax.experimental.pallas import tpu_sc as plsc

_B = 64
_NC = 2
_NS = 16
_LANES = 16


def _h_body(x_ref, w1_ref, h_ref):
    h_ref[...] = jnp.dot(x_ref[...], w1_ref[...],
                         preferred_element_type=jnp.float32)


def _h_matmul(x, w1):
    n, _ = x.shape
    h = w1.shape[1]
    return pl.pallas_call(
        _h_body,
        out_shape=jax.ShapeDtypeStruct((n, h), jnp.float32),
    )(x, w1)


_CH = 96


def _make_sc_msg_pass(n, h, e):
    nw = _NC * _NS
    ept = e // nw
    nch = ept // _CH
    tail = ept - nch * _CH
    rp = 1000
    nt = n // rp
    assert ept * nw == e and nch % 2 == 0 and 0 < tail <= _CH
    assert rp % 8 == 0 and rp * nt == n and nt <= _NS and tail % 8 == 0

    mesh = plsc.VectorSubcoreMesh(core_axis_name="c", subcore_axis_name="s")

    @functools.partial(
        pl.kernel,
        out_type=jax.ShapeDtypeStruct((_NC, n, h), jnp.float32),
        mesh=mesh,
        scratch_types=[
            pltpu.VMEM((ept,), jnp.int32),
            pltpu.VMEM((nch, _CH), jnp.int32),
            pltpu.VMEM((tail,), jnp.int32),
            pltpu.VMEM((_CH, h), jnp.float32),
            pltpu.VMEM((_CH, h), jnp.float32),
            pltpu.VMEM_SHARED((n, h), jnp.float32),
            pltpu.SemaphoreType.DMA,
            pltpu.SemaphoreType.DMA,
        ],
    )
    def sc_msg_pass(src_hbm, dst3_hbm, dstt_hbm, h_hbm, zeros_hbm, out_hbm,
                    src_v, dst_v, dstt_v, rows0, rows1, acc_sh, sem0, sem1):
        cid = lax.axis_index("c")
        sid = lax.axis_index("s")
        wid = cid * _NS + sid

        @pl.when(sid < nt)
        def _():
            pltpu.sync_copy(zeros_hbm, acc_sh.at[pl.ds(sid * rp, rp)])

        pltpu.sync_copy(src_hbm.at[pl.ds(wid * ept, ept)], src_v)
        pltpu.sync_copy(dst3_hbm.at[wid], dst_v)
        pltpu.sync_copy(dstt_hbm.at[wid], dstt_v)
        plsc.subcore_barrier()

        def sidx(c):
            return src_v.at[pl.ds(c * _CH, _CH)]

        def didx(c):
            return dst_v.at[c]

        pltpu.async_copy(h_hbm.at[sidx(0)], rows0, sem0)
        pltpu.async_copy(h_hbm.at[sidx(1)], rows1, sem1)

        def body(g, carry):
            a = 2 * g
            pltpu.make_async_copy(h_hbm.at[sidx(a)], rows0, sem0).wait()
            pltpu.sync_copy(rows0, acc_sh.at[didx(a)], add=True)

            @pl.when(a + 2 < nch)
            def _():
                pltpu.async_copy(h_hbm.at[sidx(a + 2)], rows0, sem0)

            pltpu.make_async_copy(h_hbm.at[sidx(a + 1)], rows1, sem1).wait()
            pltpu.sync_copy(rows1, acc_sh.at[didx(a + 1)], add=True)

            @pl.when(a + 3 < nch)
            def _():
                pltpu.async_copy(h_hbm.at[sidx(a + 3)], rows1, sem1)

            return carry

        lax.fori_loop(0, nch // 2, body, 0)

        rowst = rows0.at[pl.ds(0, tail)]
        pltpu.async_copy(h_hbm.at[src_v.at[pl.ds(nch * _CH, tail)]],
                         rowst, sem0).wait()
        pltpu.sync_copy(rowst, acc_sh.at[dstt_v], add=True)
        plsc.subcore_barrier()

        @pl.when(sid < nt)
        def _():
            pltpu.sync_copy(acc_sh.at[pl.ds(sid * rp, rp)],
                            out_hbm.at[cid, pl.ds(sid * rp, rp)])

    return sc_msg_pass


def _s_body(g_ref, w2_ref, wout_ref, s_ref):
    g = jnp.maximum(g_ref[0] + g_ref[1], 0.0)
    v = jnp.dot(w2_ref[...], wout_ref[...],
                preferred_element_type=jnp.float32)
    s_ref[...] = jnp.dot(g, v, preferred_element_type=jnp.float32)[:, 0]


def _s_matvec(g_part, w2, w_out):
    n = g_part.shape[1]
    return pl.pallas_call(
        _s_body,
        out_shape=jax.ShapeDtypeStruct((n,), jnp.float32),
    )(g_part, w2, w_out)


def _make_sc_scalar_pass(n, e):
    nw = _NC * _NS
    ept = e // nw
    nvec = ept // _LANES
    assert ept * nw == e and nvec * _LANES == ept

    mesh = plsc.VectorSubcoreMesh(core_axis_name="c", subcore_axis_name="s")

    @functools.partial(
        pl.kernel,
        out_type=jax.ShapeDtypeStruct((nw, _LANES, _B), jnp.float32),
        mesh=mesh,
        scratch_types=[
            pltpu.VMEM((ept,), jnp.int32),
            pltpu.VMEM((ept,), jnp.int32),
            pltpu.VMEM((n,), jnp.float32),
            pltpu.VMEM((n,), jnp.int32),
            pltpu.VMEM((_LANES, _B), jnp.float32),
            pltpu.SemaphoreType.DMA,
        ],
        compiler_params=pltpu.CompilerParams(needs_layout_passes=False),
    )
    def sc_scalar_pass(src_hbm, dst_hbm, s_hbm, batch_hbm, out_hbm,
                       src_v, dst_v, s_v, b_v, acc_v, sem):
        cid = lax.axis_index("c")
        sid = lax.axis_index("s")
        wid = cid * _NS + sid
        pltpu.async_copy(s_hbm, s_v, sem)
        pltpu.async_copy(batch_hbm, b_v, sem)
        pltpu.async_copy(src_hbm.at[pl.ds(wid * ept, ept)], src_v, sem)
        pltpu.async_copy(dst_hbm.at[pl.ds(wid * ept, ept)], dst_v, sem)

        zero = jnp.zeros((_LANES,), jnp.float32)
        for r in range(_LANES):
            for c0 in range(_B // _LANES):
                acc_v[r, pl.ds(c0 * _LANES, _LANES)] = zero

        pltpu.make_async_copy(s_hbm, s_v, sem).wait()
        pltpu.make_async_copy(batch_hbm, b_v, sem).wait()
        pltpu.make_async_copy(src_hbm.at[pl.ds(0, ept)], src_v, sem).wait()
        pltpu.make_async_copy(dst_hbm.at[pl.ds(0, ept)], dst_v, sem).wait()

        lane = lax.iota(jnp.int32, _LANES)
        unroll = 5
        assert nvec % unroll == 0

        def body(i, carry):
            base = i * (unroll * _LANES)
            for u in range(unroll):
                sl = pl.ds(base + u * _LANES, _LANES)
                src16 = src_v[sl]
                dst16 = dst_v[sl]
                sval = plsc.load_gather(s_v, [src16])
                bval = plsc.load_gather(b_v, [dst16])
                plsc.addupdate_scatter(acc_v, [lane, bval], sval)
            return carry

        lax.fori_loop(0, nvec // unroll, body, 0)
        pltpu.sync_copy(acc_v, out_hbm.at[wid])

    return sc_scalar_pass


def _out_body(acc_ref, batch_ref, bout_ref, out_ref):
    acc = acc_ref[...]
    num = jnp.sum(acc.reshape(acc.shape[0] * acc.shape[1], _B),
                  axis=0, keepdims=True)
    bt = batch_ref[...]
    iot = lax.broadcasted_iota(jnp.int32, (1, _B), 1)
    cnt = jnp.sum((bt == iot).astype(jnp.float32), axis=0,
                  keepdims=True)
    pooled = num / jnp.maximum(cnt, 1.0)
    out_ref[...] = jax.nn.sigmoid(pooled + bout_ref[0, 0])


def _pool_tail(acc, batch2d, bout2d):
    return pl.pallas_call(
        _out_body,
        out_shape=jax.ShapeDtypeStruct((1, _B), jnp.float32),
    )(acc, batch2d, bout2d)


def kernel(x, edge_index, batch, W1, W2, W_out, b_out):
    n, _ = x.shape
    h_dim = W1.shape[1]
    e = edge_index.shape[1]

    src = edge_index[0].astype(jnp.int32)
    dst = edge_index[1].astype(jnp.int32)
    batch_i = batch.astype(jnp.int32)

    nw = _NC * _NS
    ept = e // nw
    nch = ept // _CH
    main = nch * _CH
    dst2 = dst.reshape(nw, ept)
    dst3 = dst2[:, :main].reshape(nw, nch, _CH)
    dstt = dst2[:, main:]

    h = _h_matmul(x, W1)
    zeros = jnp.zeros((1000, h_dim), jnp.float32)
    g_part = _make_sc_msg_pass(n, h_dim, e)(src, dst3, dstt, h, zeros)
    s = _s_matvec(g_part, W2, W_out)
    acc = _make_sc_scalar_pass(n, e)(src, dst, s, batch_i)
    out = _pool_tail(acc, batch_i.reshape(n, 1), b_out.reshape(1, 1))
    return out.reshape(_B, 1)

# --- scband reference (transcript-rebuilt; emitter-appended) ---
"""Pipeline reference for scband-gcn-30691836297408 (READ-ONLY COPY).

The authoritative reference and input builder live on the scoring server;
editing this copy changes nothing except your own understanding.
"""

import jax, jax.numpy as jnp
import numpy as np

N = 10000
E = 320000
D = 128
H = 128
A = 128
B = 64


def setup_inputs(seed: int = 0) -> dict:
    key = jax.random.key(seed)
    ks = jax.random.split(key, 7)
    x = jax.random.normal(ks[0], (N, D), dtype=jnp.float32)
    edge_index = jax.random.randint(ks[1], (2, E), 0, N)
    batch = jnp.sort(jax.random.randint(ks[2], (N,), 0, B))
    W1 = jax.random.normal(ks[3], (D, H), dtype=jnp.float32) * 0.05
    W2 = jax.random.normal(ks[4], (H, A), dtype=jnp.float32) * 0.05
    W_out = jax.random.normal(ks[5], (A, 1), dtype=jnp.float32) * 0.05
    b_out = jnp.zeros((1,), dtype=jnp.float32)
    return {"x": x, "edge_index": edge_index, "batch": batch,
            "W1": W1, "W2": W2, "W_out": W_out, "b_out": b_out}


def reference(x, edge_index, batch, W1, W2, W_out, b_out):
    src = edge_index[0]
    dst = edge_index[1]
    # GCNConv 1: linear transform then sum-aggregate messages (edge_weight=None)
    h = x @ W1
    h = jax.ops.segment_sum(h[src], dst, num_segments=N)
    h = jax.nn.relu(h)
    # dropout treated as identity (eval/deterministic reference)
    # GCNConv 2
    h = h @ W2
    h = jax.ops.segment_sum(h[src], dst, num_segments=N)
    # global_mean_pool over graph ids
    counts = jax.ops.segment_sum(jnp.ones((N,), dtype=jnp.float32), batch, num_segments=B)
    pooled = jax.ops.segment_sum(h, batch, num_segments=B) / jnp.clip(counts, 1.0)[:, None]
    # output linear + sigmoid
    out = jax.nn.sigmoid(pooled @ W_out + b_out)
    return out

if __name__ == "__main__":
    import jax
    _d = setup_inputs()
    print(jax.jit(kernel)(*tuple(_d.values())))

</pallas_src>

<mosaic_0001>
#map = affine_map<(d0, d1) -> (0)>
#map1 = affine_map<(d0, d1) -> (0, 0, 0)>
#map2 = affine_map<(d0, d1) -> (0, 0)>
module attributes {stable_mosaic.version = 14 : i64} {
  func.func @sc_msg_pass(%arg0: i32, %arg1: i32, %arg2: memref<320000xi32, #tpu.memory_space<hbm>>, %arg3: memref<32x104x96xi32, #tpu.memory_space<hbm>>, %arg4: memref<32x16xi32, #tpu.memory_space<hbm>>, %arg5: memref<10000x128xf32, #tpu.memory_space<hbm>>, %arg6: memref<1000x128xf32, #tpu.memory_space<hbm>>, %arg7: memref<2x10000x128xf32, #tpu.memory_space<hbm>>, %arg8: memref<10000xi32, #tpu.memory_space<vmem>>, %arg9: memref<104x96xi32, #tpu.memory_space<vmem>>, %arg10: memref<16xi32, #tpu.memory_space<vmem>>, %arg11: memref<96x128xf32, #tpu.memory_space<vmem>>, %arg12: memref<96x128xf32, #tpu.memory_space<vmem>>, %arg13: memref<10000x128xf32, #tpu.memory_space<vmem_shared>>, %arg14: memref<!tpu.dma_semaphore, #tpu.memory_space<semaphore_mem>>, %arg15: memref<!tpu.dma_semaphore, #tpu.memory_space<semaphore_mem>>) attributes {dimension_semantics = [#tpu.dimension_semantics<core_parallel>, #tpu.dimension_semantics<subcore_parallel>], iteration_bounds = array<i64: 2, 16>, scalar_prefetch = 0 : i64, scratch_operands = 8 : i64, tpu.core_type = #tpu.core_type<sc_vector_subcore>, window_params = [{transform_indices = #map}, {transform_indices = #map1}, {transform_indices = #map2}, {transform_indices = #map2}, {transform_indices = #map2}, {transform_indices = #map1}]} {
    %mul3A = arith.constant 16 : i32
    %mul3A_0 = arith.muli %arg0, %mul3A : i32
    %add3A = arith.addi %mul3A_0, %arg1 : i32
    %lt3A = arith.constant 10 : i32
    %lt3A_1 = arith.cmpi slt, %arg1, %lt3A : i32
    %convert_element_type3A = arith.extui %lt3A_1 : i1 to i32
    %cond3A = arith.constant 0 : i32
    %cond3A_2 = arith.cmpi ne, %convert_element_type3A, %cond3A : i32
    scf.if %cond3A_2 {
      %mul3A_40 = arith.constant 1000 : i32
      %mul3A_41 = arith.muli %arg1, %mul3A_40 : i32
      "tpu.region"() ({
        %run_scoped3A = tpu.sem_alloc : memref<!tpu.dma_semaphore, #tpu.memory_space<semaphore_mem>>
        %dma_start3A_42 = arith.constant 0 : i32
        %dma_start3A_43 = tpu.memref_slice %arg13[%mul3A_41, %dma_start3A_42] : memref<10000x128xf32, #tpu.memory_space<vmem_shared>> -> memref<1000x128xf32, #tpu.memory_space<vmem_shared>>
        tpu.enqueue_dma source(%arg6 : memref<1000x128xf32, #tpu.memory_space<hbm>>) target(%dma_start3A_43 : memref<1000x128xf32, #tpu.memory_space<vmem_shared>>) target_semaphore(%run_scoped3A : memref<!tpu.dma_semaphore, #tpu.memory_space<semaphore_mem>>)
        %dma_wait3A_44 = arith.constant 0 : i32
        %dma_wait3A_45 = tpu.memref_slice %arg13[%mul3A_41, %dma_wait3A_44] : memref<10000x128xf32, #tpu.memory_space<vmem_shared>> -> memref<1000x128xf32, #tpu.memory_space<vmem_shared>>
        tpu.wait_dma2 semaphore(%run_scoped3A : memref<!tpu.dma_semaphore, #tpu.memory_space<semaphore_mem>>) src(%arg6 : memref<1000x128xf32, #tpu.memory_space<hbm>>) dst(%dma_wait3A_45 : memref<1000x128xf32, #tpu.memory_space<vmem_shared>>)
        tpu.yield
      }) : () -> ()
    } else {
    }
    %mul3A_3 = arith.constant 10000 : i32
    %mul3A_4 = arith.muli %add3A, %mul3A_3 : i32
    "tpu.region"() ({
      %run_scoped3A = tpu.sem_alloc : memref<!tpu.dma_semaphore, #tpu.memory_space<semaphore_mem>>
      %dma_start3A_40 = tpu.memref_slice %arg2[%mul3A_4] : memref<320000xi32, #tpu.memory_space<hbm>> -> memref<10000xi32, #tpu.memory_space<hbm>>
      %dma_start3A_41 = tpu.memref_slice %arg2[%mul3A_4] : memref<320000xi32, #tpu.memory_space<hbm>> -> memref<10000xi32, #tpu.memory_space<hbm>>
      tpu.enqueue_dma source(%dma_start3A_41 : memref<10000xi32, #tpu.memory_space<hbm>>) target(%arg8 : memref<10000xi32, #tpu.memory_space<vmem>>) target_semaphore(%run_scoped3A : memref<!tpu.dma_semaphore, #tpu.memory_space<semaphore_mem>>)
      %dma_wait3A_42 = tpu.memref_slice %arg2[%mul3A_4] : memref<320000xi32, #tpu.memory_space<hbm>> -> memref<10000xi32, #tpu.memory_space<hbm>>
      %dma_wait3A_43 = tpu.memref_slice %arg2[%mul3A_4] : memref<320000xi32, #tpu.memory_space<hbm>> -> memref<10000xi32, #tpu.memory_space<hbm>>
      tpu.wait_dma2 semaphore(%run_scoped3A : memref<!tpu.dma_semaphore, #tpu.memory_space<semaphore_mem>>) src(%dma_wait3A_43 : memref<10000xi32, #tpu.memory_space<hbm>>) dst(%arg8 : memref<10000xi32, #tpu.memory_space<vmem>>)
      tpu.yield
    }) : () -> ()
    "tpu.region"() ({
      %run_scoped3A = tpu.sem_alloc : memref<!tpu.dma_semaphore, #tpu.memory_space<semaphore_mem>>
      %dma_start3A_40 = arith.constant 0 : i32
      %dma_start3A_41 = arith.constant 0 : i32
      %dma_start3A_42 = tpu.memref_slice %arg3[%add3A, %dma_start3A_40, %dma_start3A_41] : memref<32x104x96xi32, #tpu.memory_space<hbm>> -> memref<1x104x96xi32, #tpu.memory_space<hbm>>
      %dma_start3A_43 = tpu.memref_squeeze %dma_start3A_42 : memref<1x104x96xi32, #tpu.memory_space<hbm>> -> memref<104x96xi32, #tpu.memory_space<hbm>>
      %dma_start3A_44 = arith.constant 0 : i32
      %dma_start3A_45 = arith.constant 0 : i32
      %dma_start3A_46 = tpu.memref_slice %arg3[%add3A, %dma_start3A_44, %dma_start3A_45] : memref<32x104x96xi32, #tpu.memory_space<hbm>> -> memref<1x104x96xi32, #tpu.memory_space<hbm>>
      %dma_start3A_47 = tpu.memref_squeeze %dma_start3A_46 : memref<1x104x96xi32, #tpu.memory_space<hbm>> -> memref<104x96xi32, #tpu.memory_space<hbm>>
      tpu.enqueue_dma source(%dma_start3A_47 : memref<104x96xi32, #tpu.memory_space<hbm>>) target(%arg9 : memref<104x96xi32, #tpu.memory_space<vmem>>) target_semaphore(%run_scoped3A : memref<!tpu.dma_semaphore, #tpu.memory_space<semaphore_mem>>)
      %dma_wait3A_48 = arith.constant 0 : i32
      %dma_wait3A_49 = arith.constant 0 : i32
      %dma_wait3A_50 = tpu.memref_slice %arg3[%add3A, %dma_wait3A_48, %dma_wait3A_49] : memref<32x104x96xi32, #tpu.memory_space<hbm>> -> memref<1x104x96xi32, #tpu.memory_space<hbm>>
      %dma_wait3A_51 = tpu.memref_squeeze %dma_wait3A_50 : memref<1x104x96xi32, #tpu.memory_space<hbm>> -> memref<104x96xi32, #tpu.memory_space<hbm>>
      %dma_wait3A_52 = arith.constant 0 : i32
      %dma_wait3A_53 = arith.constant 0 : i32
      %dma_wait3A_54 = tpu.memref_slice %arg3[%add3A, %dma_wait3A_52, %dma_wait3A_53] : memref<32x104x96xi32, #tpu.memory_space<hbm>> -> memref<1x104x96xi32, #tpu.memory_space<hbm>>
      %dma_wait3A_55 = tpu.memref_squeeze %dma_wait3A_54 : memref<1x104x96xi32, #tpu.memory_space<hbm>> -> memref<104x96xi32, #tpu.memory_space<hbm>>
      tpu.wait_dma2 semaphore(%run_scoped3A : memref<!tpu.dma_semaphore, #tpu.memory_space<semaphore_mem>>) src(%dma_wait3A_55 : memref<104x96xi32, #tpu.memory_space<hbm>>) dst(%arg9 : memref<104x96xi32, #tpu.memory_space<vmem>>)
      tpu.yield
    }) : () -> ()
    "tpu.region"() ({
      %run_scoped3A = tpu.sem_alloc : memref<!tpu.dma_semaphore, #tpu.memory_space<semaphore_mem>>
      %dma_start3A_40 = arith.constant 0 : i32
      %dma_start3A_41 = tpu.memref_slice %arg4[%add3A, %dma_start3A_40] : memref<32x16xi32, #tpu.memory_space<hbm>> -> memref<1x16xi32, #tpu.memory_space<hbm>>
      %dma_start3A_42 = tpu.memref_squeeze %dma_start3A_41 : memref<1x16xi32, #tpu.memory_space<hbm>> -> memref<16xi32, #tpu.memory_space<hbm>>
      %dma_start3A_43 = arith.constant 0 : i32
      %dma_start3A_44 = tpu.memref_slice %arg4[%add3A, %dma_start3A_43] : memref<32x16xi32, #tpu.memory_space<hbm>> -> memref<1x16xi32, #tpu.memory_space<hbm>>
      %dma_start3A_45 = tpu.memref_squeeze %dma_start3A_44 : memref<1x16xi32, #tpu.memory_space<hbm>> -> memref<16xi32, #tpu.memory_space<hbm>>
      tpu.enqueue_dma source(%dma_start3A_45 : memref<16xi32, #tpu.memory_space<hbm>>) target(%arg10 : memref<16xi32, #tpu.memory_space<vmem>>) target_semaphore(%run_scoped3A : memref<!tpu.dma_semaphore, #tpu.memory_space<semaphore_mem>>)
      %dma_wait3A_46 = arith.constant 0 : i32
      %dma_wait3A_47 = tpu.memref_slice %arg4[%add3A, %dma_wait3A_46] : memref<32x16xi32, #tpu.memory_space<hbm>> -> memref<1x16xi32, #tpu.memory_space<hbm>>
      %dma_wait3A_48 = tpu.memref_squeeze %dma_wait3A_47 : memref<1x16xi32, #tpu.memory_space<hbm>> -> memref<16xi32, #tpu.memory_space<hbm>>
      %dma_wait3A_49 = arith.constant 0 : i32
      %dma_wait3A_50 = tpu.memref_slice %arg4[%add3A, %dma_wait3A_49] : memref<32x16xi32, #tpu.memory_space<hbm>> -> memref<1x16xi32, #tpu.memory_space<hbm>>
      %dma_wait3A_51 = tpu.memref_squeeze %dma_wait3A_50 : memref<1x16xi32, #tpu.memory_space<hbm>> -> memref<16xi32, #tpu.memory_space<hbm>>
      tpu.wait_dma2 semaphore(%run_scoped3A : memref<!tpu.dma_semaphore, #tpu.memory_space<semaphore_mem>>) src(%dma_wait3A_51 : memref<16xi32, #tpu.memory_space<hbm>>) dst(%arg10 : memref<16xi32, #tpu.memory_space<vmem>>)
      tpu.yield
    }) : () -> ()
    %barrier3A = arith.constant 0 : index
    tpu.barrier barrier_id(%barrier3A)
    %dma_start3A = arith.constant 0 : i32
    %dma_start3A_5 = tpu.memref_slice %arg8[%dma_start3A] : memref<10000xi32, #tpu.memory_space<vmem>> -> memref<96xi32, #tpu.memory_space<vmem>>
    %dma_start3A_6 = arith.constant 0 : i32
    %dma_start3A_7 = arith.constant 0 : i32
    %dma_start3A_8 = tpu.memref_slice %arg5[%dma_start3A_6, %dma_start3A_7] : memref<10000x128xf32, #tpu.memory_space<hbm>> -> memref<10000x128xf32, #tpu.memory_space<hbm>>
    tpu.enqueue_indirect_dma source(%dma_start3A_8 : memref<10000x128xf32, #tpu.memory_space<hbm>>) target(%arg11 : memref<96x128xf32, #tpu.memory_space<vmem>>) offsets(%dma_start3A_5 : memref<96xi32, #tpu.memory_space<vmem>>) semaphore(%arg14 : memref<!tpu.dma_semaphore, #tpu.memory_space<semaphore_mem>>)
    %dma_start3A_9 = arith.constant 96 : i32
    %dma_start3A_10 = tpu.memref_slice %arg8[%dma_start3A_9] : memref<10000xi32, #tpu.memory_space<vmem>> -> memref<96xi32, #tpu.memory_space<vmem>>
    %dma_start3A_11 = arith.constant 0 : i32
    %dma_start3A_12 = arith.constant 0 : i32
    %dma_start3A_13 = tpu.memref_slice %arg5[%dma_start3A_11, %dma_start3A_12] : memref<10000x128xf32, #tpu.memory_space<hbm>> -> memref<10000x128xf32, #tpu.memory_space<hbm>>
    tpu.enqueue_indirect_dma source(%dma_start3A_13 : memref<10000x128xf32, #tpu.memory_space<hbm>>) target(%arg12 : memref<96x128xf32, #tpu.memory_space<vmem>>) offsets(%dma_start3A_10 : memref<96xi32, #tpu.memory_space<vmem>>) semaphore(%arg15 : memref<!tpu.dma_semaphore, #tpu.memory_space<semaphore_mem>>)
    %scan3A = arith.constant 0 : i32
    %scan3A_14 = arith.constant 0 : i32
    %scan3A_15 = arith.constant 52 : i32
    %scan3A_16 = arith.addi %scan3A_14, %scan3A_15 : i32
    %scan3A_17 = arith.constant 1 : i32
    scf.for %scan3A_40 = %scan3A_14 to %scan3A_16 step %scan3A_17  : i32 {
      %mul3A_41 = arith.constant 2 : i32
      %mul3A_42 = arith.muli %mul3A_41, %scan3A_40 : i32
      %mul3A_43 = arith.constant 96 : i32
      %mul3A_44 = arith.muli %mul3A_42, %mul3A_43 : i32
      %dma_wait3A_45 = tpu.memref_slice %arg8[%mul3A_44] : memref<10000xi32, #tpu.memory_space<vmem>> -> memref<96xi32, #tpu.memory_space<vmem>>
      %dma_wait3A_46 = arith.constant 0 : i32
      %dma_wait3A_47 = arith.constant 0 : i32
      %dma_wait3A_48 = tpu.memref_slice %arg5[%dma_wait3A_46, %dma_wait3A_47] : memref<10000x128xf32, #tpu.memory_space<hbm>> -> memref<10000x128xf32, #tpu.memory_space<hbm>>
      tpu.wait_indirect_dma semaphore(%arg14 : memref<!tpu.dma_semaphore, #tpu.memory_space<semaphore_mem>>) src(%dma_wait3A_48 : memref<10000x128xf32, #tpu.memory_space<hbm>>) dst(%arg11 : memref<96x128xf32, #tpu.memory_space<vmem>>)
      "tpu.region"() ({
        %run_scoped3A = tpu.sem_alloc : memref<!tpu.dma_semaphore, #tpu.memory_space<semaphore_mem>>
        %dma_start3A_73 = arith.constant 0 : i32
        %dma_start3A_74 = tpu.memref_slice %arg9[%mul3A_42, %dma_start3A_73] : memref<104x96xi32, #tpu.memory_space<vmem>> -> memref<1x96xi32, #tpu.memory_space<vmem>>
        %dma_start3A_75 = tpu.memref_squeeze %dma_start3A_74 : memref<1x96xi32, #tpu.memory_space<vmem>> -> memref<96xi32, #tpu.memory_space<vmem>>
        %dma_start3A_76 = arith.constant 0 : i32
        %dma_start3A_77 = arith.constant 0 : i32
        %dma_start3A_78 = tpu.memref_slice %arg13[%dma_start3A_76, %dma_start3A_77] : memref<10000x128xf32, #tpu.memory_space<vmem_shared>> -> memref<10000x128xf32, #tpu.memory_space<vmem_shared>>
        tpu.enqueue_indirect_dma source(%arg11 : memref<96x128xf32, #tpu.memory_space<vmem>>) target(%dma_start3A_78 : memref<10000x128xf32, #tpu.memory_space<vmem_shared>>) offsets(%dma_start3A_75 : memref<96xi32, #tpu.memory_space<vmem>>) semaphore(%run_scoped3A : memref<!tpu.dma_semaphore, #tpu.memory_space<semaphore_mem>>) {add = true}
        %dma_wait3A_79 = arith.constant 0 : i32
        %dma_wait3A_80 = tpu.memref_slice %arg9[%mul3A_42, %dma_wait3A_79] : memref<104x96xi32, #tpu.memory_space<vmem>> -> memref<1x96xi32, #tpu.memory_space<vmem>>
        %dma_wait3A_81 = tpu.memref_squeeze %dma_wait3A_80 : memref<1x96xi32, #tpu.memory_space<vmem>> -> memref<96xi32, #tpu.memory_space<vmem>>
        %dma_wait3A_82 = arith.constant 0 : i32
        %dma_wait3A_83 = arith.constant 0 : i32
        %dma_wait3A_84 = tpu.memref_slice %arg13[%dma_wait3A_82, %dma_wait3A_83] : memref<10000x128xf32, #tpu.memory_space<vmem_shared>> -> memref<10000x128xf32, #tpu.memory_space<vmem_shared>>
        tpu.wait_indirect_dma semaphore(%run_scoped3A : memref<!tpu.dma_semaphore, #tpu.memory_space<semaphore_mem>>) src(%arg11 : memref<96x128xf32, #tpu.memory_space<vmem>>) dst(%dma_wait3A_84 : memref<10000x128xf32, #tpu.memory_space<vmem_shared>>)
        tpu.yield
      }) : () -> ()
      %add3A_49 = arith.constant 2 : i32
      %add3A_50 = arith.addi %mul3A_42, %add3A_49 : i32
      %lt3A_51 = arith.constant 104 : i32
      %lt3A_52 = arith.cmpi slt, %add3A_50, %lt3A_51 : i32
      %convert_element_type3A_53 = arith.extui %lt3A_52 : i1 to i32
      %cond3A_54 = arith.constant 0 : i32
      %cond3A_55 = arith.cmpi ne, %convert_element_type3A_53, %cond3A_54 : i32
      scf.if %cond3A_55 {
        %add3A_73 = arith.constant 2 : i32
        %add3A_74 = arith.addi %mul3A_42, %add3A_73 : i32
        %mul3A_75 = arith.constant 96 : i32
        %mul3A_76 = arith.muli %add3A_74, %mul3A_75 : i32
        %dma_start3A_77 = tpu.memref_slice %arg8[%mul3A_76] : memref<10000xi32, #tpu.memory_space<vmem>> -> memref<96xi32, #tpu.memory_space<vmem>>
        %dma_start3A_78 = arith.constant 0 : i32
        %dma_start3A_79 = arith.constant 0 : i32
        %dma_start3A_80 = tpu.memref_slice %arg5[%dma_start3A_78, %dma_start3A_79] : memref<10000x128xf32, #tpu.memory_space<hbm>> -> memref<10000x128xf32, #tpu.memory_space<hbm>>
        tpu.enqueue_indirect_dma source(%dma_start3A_80 : memref<10000x128xf32, #tpu.memory_space<hbm>>) target(%arg11 : memref<96x128xf32, #tpu.memory_space<vmem>>) offsets(%dma_start3A_77 : memref<96xi32, #tpu.memory_space<vmem>>) semaphore(%arg14 : memref<!tpu.dma_semaphore, #tpu.memory_space<semaphore_mem>>)
      } else {
      }
      %add3A_56 = arith.constant 1 : i32
      %add3A_57 = arith.addi %mul3A_42, %add3A_56 : i32
      %mul3A_58 = arith.constant 96 : i32
      %mul3A_59 = arith.muli %add3A_57, %mul3A_58 : i32
      %dma_wait3A_60 = tpu.memref_slice %arg8[%mul3A_59] : memref<10000xi32, #tpu.memory_space<vmem>> -> memref<96xi32, #tpu.memory_space<vmem>>
      %dma_wait3A_61 = arith.constant 0 : i32
      %dma_wait3A_62 = arith.constant 0 : i32
      %dma_wait3A_63 = tpu.memref_slice %arg5[%dma_wait3A_61, %dma_wait3A_62] : memref<10000x128xf32, #tpu.memory_space<hbm>> -> memref<10000x128xf32, #tpu.memory_space<hbm>>
      tpu.wait_indirect_dma semaphore(%arg15 : memref<!tpu.dma_semaphore, #tpu.memory_space<semaphore_mem>>) src(%dma_wait3A_63 : memref<10000x128xf32, #tpu.memory_space<hbm>>) dst(%arg12 : memref<96x128xf32, #tpu.memory_space<vmem>>)
      %add3A_64 = arith.constant 1 : i32
      %add3A_65 = arith.addi %mul3A_42, %add3A_64 : i32
      "tpu.region"() ({
        %run_scoped3A = tpu.sem_alloc : memref<!tpu.dma_semaphore, #tpu.memory_space<semaphore_mem>>
        %dma_start3A_73 = arith.constant 0 : i32
        %dma_start3A_74 = tpu.memref_slice %arg9[%add3A_65, %dma_start3A_73] : memref<104x96xi32, #tpu.memory_space<vmem>> -> memref<1x96xi32, #tpu.memory_space<vmem>>
        %dma_start3A_75 = tpu.memref_squeeze %dma_start3A_74 : memref<1x96xi32, #tpu.memory_space<vmem>> -> memref<96xi32, #tpu.memory_space<vmem>>
        %dma_start3A_76 = arith.constant 0 : i32
        %dma_start3A_77 = arith.constant 0 : i32
        %dma_start3A_78 = tpu.memref_slice %arg13[%dma_start3A_76, %dma_start3A_77] : memref<10000x128xf32, #tpu.memory_space<vmem_shared>> -> memref<10000x128xf32, #tpu.memory_space<vmem_shared>>
        tpu.enqueue_indirect_dma source(%arg12 : memref<96x128xf32, #tpu.memory_space<vmem>>) target(%dma_start3A_78 : memref<10000x128xf32, #tpu.memory_space<vmem_shared>>) offsets(%dma_start3A_75 : memref<96xi32, #tpu.memory_space<vmem>>) semaphore(%run_scoped3A : memref<!tpu.dma_semaphore, #tpu.memory_space<semaphore_mem>>) {add = true}
        %dma_wait3A_79 = arith.constant 0 : i32
        %dma_wait3A_80 = tpu.memref_slice %arg9[%add3A_65, %dma_wait3A_79] : memref<104x96xi32, #tpu.memory_space<vmem>> -> memref<1x96xi32, #tpu.memory_space<vmem>>
        %dma_wait3A_81 = tpu.memref_squeeze %dma_wait3A_80 : memref<1x96xi32, #tpu.memory_space<vmem>> -> memref<96xi32, #tpu.memory_space<vmem>>
        %dma_wait3A_82 = arith.constant 0 : i32
        %dma_wait3A_83 = arith.constant 0 : i32
        %dma_wait3A_84 = tpu.memref_slice %arg13[%dma_wait3A_82, %dma_wait3A_83] : memref<10000x128xf32, #tpu.memory_space<vmem_shared>> -> memref<10000x128xf32, #tpu.memory_space<vmem_shared>>
        tpu.wait_indirect_dma semaphore(%run_scoped3A : memref<!tpu.dma_semaphore, #tpu.memory_space<semaphore_mem>>) src(%arg12 : memref<96x128xf32, #tpu.memory_space<vmem>>) dst(%dma_wait3A_84 : memref<10000x128xf32, #tpu.memory_space<vmem_shared>>)
        tpu.yield
      }) : () -> ()
      %add3A_66 = arith.constant 3 : i32
      %add3A_67 = arith.addi %mul3A_42, %add3A_66 : i32
      %lt3A_68 = arith.constant 104 : i32
      %lt3A_69 = arith.cmpi slt, %add3A_67, %lt3A_68 : i32
      %convert_element_type3A_70 = arith.extui %lt3A_69 : i1 to i32
      %cond3A_71 = arith.constant 0 : i32
      %cond3A_72 = arith.cmpi ne, %convert_element_type3A_70, %cond3A_71 : i32
      scf.if %cond3A_72 {
        %add3A_73 = arith.constant 3 : i32
        %add3A_74 = arith.addi %mul3A_42, %add3A_73 : i32
        %mul3A_75 = arith.constant 96 : i32
        %mul3A_76 = arith.muli %add3A_74, %mul3A_75 : i32
        %dma_start3A_77 = tpu.memref_slice %arg8[%mul3A_76] : memref<10000xi32, #tpu.memory_space<vmem>> -> memref<96xi32, #tpu.memory_space<vmem>>
        %dma_start3A_78 = arith.constant 0 : i32
        %dma_start3A_79 = arith.constant 0 : i32
        %dma_start3A_80 = tpu.memref_slice %arg5[%dma_start3A_78, %dma_start3A_79] : memref<10000x128xf32, #tpu.memory_space<hbm>> -> memref<10000x128xf32, #tpu.memory_space<hbm>>
        tpu.enqueue_indirect_dma source(%dma_start3A_80 : memref<10000x128xf32, #tpu.memory_space<hbm>>) target(%arg12 : memref<96x128xf32, #tpu.memory_space<vmem>>) offsets(%dma_start3A_77 : memref<96xi32, #tpu.memory_space<vmem>>) semaphore(%arg15 : memref<!tpu.dma_semaphore, #tpu.memory_space<semaphore_mem>>)
      } else {
      }
    }
    %scan3A_18 = arith.constant 52 : i32
    %dma_start3A_19 = arith.constant 0 : i32
    %dma_start3A_20 = arith.constant 0 : i32
    %dma_start3A_21 = tpu.memref_slice %arg11[%dma_start3A_19, %dma_start3A_20] : memref<96x128xf32, #tpu.memory_space<vmem>> -> memref<16x128xf32, #tpu.memory_space<vmem>>
    %dma_start3A_22 = arith.constant 9984 : i32
    %dma_start3A_23 = tpu.memref_slice %arg8[%dma_start3A_22] : memref<10000xi32, #tpu.memory_space<vmem>> -> memref<16xi32, #tpu.memory_space<vmem>>
    %dma_start3A_24 = arith.constant 0 : i32
    %dma_start3A_25 = arith.constant 0 : i32
    %dma_start3A_26 = tpu.memref_slice %arg5[%dma_start3A_24, %dma_start3A_25] : memref<10000x128xf32, #tpu.memory_space<hbm>> -> memref<10000x128xf32, #tpu.memory_space<hbm>>
    tpu.enqueue_indirect_dma source(%dma_start3A_26 : memref<10000x128xf32, #tpu.memory_space<hbm>>) target(%dma_start3A_21 : memref<16x128xf32, #tpu.memory_space<vmem>>) offsets(%dma_start3A_23 : memref<16xi32, #tpu.memory_space<vmem>>) semaphore(%arg14 : memref<!tpu.dma_semaphore, #tpu.memory_space<semaphore_mem>>)
    %dma_wait3A = arith.constant 0 : i32
    %dma_wait3A_27 = arith.constant 0 : i32
    %dma_wait3A_28 = tpu.memref_slice %arg11[%dma_wait3A, %dma_wait3A_27] : memref<96x128xf32, #tpu.memory_space<vmem>> -> memref<16x128xf32, #tpu.memory_space<vmem>>
    %dma_wait3A_29 = arith.constant 9984 : i32
    %dma_wait3A_30 = tpu.memref_slice %arg8[%dma_wait3A_29] : memref<10000xi32, #tpu.memory_space<vmem>> -> memref<16xi32, #tpu.memory_space<vmem>>
    %dma_wait3A_31 = arith.constant 0 : i32
    %dma_wait3A_32 = arith.constant 0 : i32
    %dma_wait3A_33 = tpu.memref_slice %arg5[%dma_wait3A_31, %dma_wait3A_32] : memref<10000x128xf32, #tpu.memory_space<hbm>> -> memref<10000x128xf32, #tpu.memory_space<hbm>>
    tpu.wait_indirect_dma semaphore(%arg14 : memref<!tpu.dma_semaphore, #tpu.memory_space<semaphore_mem>>) src(%dma_wait3A_33 : memref<10000x128xf32, #tpu.memory_space<hbm>>) dst(%dma_wait3A_28 : memref<16x128xf32, #tpu.memory_space<vmem>>)
    "tpu.region"() ({
      %run_scoped3A = tpu.sem_alloc : memref<!tpu.dma_semaphore, #tpu.memory_space<semaphore_mem>>
      %dma_start3A_40 = arith.constant 0 : i32
      %dma_start3A_41 = arith.constant 0 : i32
      %dma_start3A_42 = tpu.memref_slice %arg11[%dma_start3A_40, %dma_start3A_41] : memref<96x128xf32, #tpu.memory_space<vmem>> -> memref<16x128xf32, #tpu.memory_space<vmem>>
      %dma_start3A_43 = arith.constant 0 : i32
      %dma_start3A_44 = arith.constant 0 : i32
      %dma_start3A_45 = tpu.memref_slice %arg13[%dma_start3A_43, %dma_start3A_44] : memref<10000x128xf32, #tpu.memory_space<vmem_shared>> -> memref<10000x128xf32, #tpu.memory_space<vmem_shared>>
      tpu.enqueue_indirect_dma source(%dma_start3A_42 : memref<16x128xf32, #tpu.memory_space<vmem>>) target(%dma_start3A_45 : memref<10000x128xf32, #tpu.memory_space<vmem_shared>>) offsets(%arg10 : memref<16xi32, #tpu.memory_space<vmem>>) semaphore(%run_scoped3A : memref<!tpu.dma_semaphore, #tpu.memory_space<semaphore_mem>>) {add = true}
      %dma_wait3A_46 = arith.constant 0 : i32
      %dma_wait3A_47 = arith.constant 0 : i32
      %dma_wait3A_48 = tpu.memref_slice %arg11[%dma_wait3A_46, %dma_wait3A_47] : memref<96x128xf32, #tpu.memory_space<vmem>> -> memref<16x128xf32, #tpu.memory_space<vmem>>
      %dma_wait3A_49 = arith.constant 0 : i32
      %dma_wait3A_50 = arith.constant 0 : i32
      %dma_wait3A_51 = tpu.memref_slice %arg13[%dma_wait3A_49, %dma_wait3A_50] : memref<10000x128xf32, #tpu.memory_space<vmem_shared>> -> memref<10000x128xf32, #tpu.memory_space<vmem_shared>>
      tpu.wait_indirect_dma semaphore(%run_scoped3A : memref<!tpu.dma_semaphore, #tpu.memory_space<semaphore_mem>>) src(%dma_wait3A_48 : memref<16x128xf32, #tpu.memory_space<vmem>>) dst(%dma_wait3A_51 : memref<10000x128xf32, #tpu.memory_space<vmem_shared>>)
      tpu.yield
    }) : () -> ()
    %barrier3A_34 = arith.constant 0 : index
    tpu.barrier barrier_id(%barrier3A_34)
    %lt3A_35 = arith.constant 10 : i32
    %lt3A_36 = arith.cmpi slt, %arg1, %lt3A_35 : i32
    %convert_element_type3A_37 = arith.extui %lt3A_36 : i1 to i32
    %cond3A_38 = arith.constant 0 : i32
    %cond3A_39 = arith.cmpi ne, %convert_element_type3A_37, %cond3A_38 : i32
    scf.if %cond3A_39 {
      %mul3A_40 = arith.constant 1000 : i32
      %mul3A_41 = arith.muli %arg1, %mul3A_40 : i32
      %mul3A_42 = arith.constant 1000 : i32
      %mul3A_43 = arith.muli %arg1, %mul3A_42 : i32
      "tpu.region"() ({
        %run_scoped3A = tpu.sem_alloc : memref<!tpu.dma_semaphore, #tpu.memory_space<semaphore_mem>>
        %dma_start3A_44 = arith.constant 0 : i32
        %dma_start3A_45 = tpu.memref_slice %arg7[%arg0, %mul3A_43, %dma_start3A_44] : memref<2x10000x128xf32, #tpu.memory_space<hbm>> -> memref<1x1000x128xf32, #tpu.memory_space<hbm>>
        %dma_start3A_46 = tpu.memref_squeeze %dma_start3A_45 : memref<1x1000x128xf32, #tpu.memory_space<hbm>> -> memref<1000x128xf32, #tpu.memory_space<hbm>>
        %dma_start3A_47 = arith.constant 0 : i32
        %dma_start3A_48 = tpu.memref_slice %arg13[%mul3A_41, %dma_start3A_47] : memref<10000x128xf32, #tpu.memory_space<vmem_shared>> -> memref<1000x128xf32, #tpu.memory_space<vmem_shared>>
        tpu.enqueue_dma source(%dma_start3A_48 : memref<1000x128xf32, #tpu.memory_space<vmem_shared>>) target(%dma_start3A_46 : memref<1000x128xf32, #tpu.memory_space<hbm>>) target_semaphore(%run_scoped3A : memref<!tpu.dma_semaphore, #tpu.memory_space<semaphore_mem>>)
        %dma_wait3A_49 = arith.constant 0 : i32
        %dma_wait3A_50 = tpu.memref_slice %arg7[%arg0, %mul3A_43, %dma_wait3A_49] : memref<2x10000x128xf32, #tpu.memory_space<hbm>> -> memref<1x1000x128xf32, #tpu.memory_space<hbm>>
        %dma_wait3A_51 = tpu.memref_squeeze %dma_wait3A_50 : memref<1x1000x128xf32, #tpu.memory_space<hbm>> -> memref<1000x128xf32, #tpu.memory_space<hbm>>
        %dma_wait3A_52 = arith.constant 0 : i32
        %dma_wait3A_53 = tpu.memref_slice %arg13[%mul3A_41, %dma_wait3A_52] : memref<10000x128xf32, #tpu.memory_space<vmem_shared>> -> memref<1000x128xf32, #tpu.memory_space<vmem_shared>>
        tpu.wait_dma2 semaphore(%run_scoped3A : memref<!tpu.dma_semaphore, #tpu.memory_space<semaphore_mem>>) src(%dma_wait3A_53 : memref<1000x128xf32, #tpu.memory_space<vmem_shared>>) dst(%dma_wait3A_51 : memref<1000x128xf32, #tpu.memory_space<hbm>>)
        tpu.yield
      }) : () -> ()
    } else {
    }
    return
  }
}

#map = affine_map<(d0, d1) -> (0)>
#map1 = affine_map<(d0, d1) -> (0, 0, 0)>
module attributes {stable_mosaic.version = 14 : i64} {
  func.func @sc_scalar_pass(%arg0: i32, %arg1: i32, %arg2: memref<320000xi32, #tpu.memory_space<hbm>>, %arg3: memref<320000xi32, #tpu.memory_space<hbm>>, %arg4: memref<10000xf32, #tpu.memory_space<hbm>>, %arg5: memref<10000xi32, #tpu.memory_space<hbm>>, %arg6: memref<32x16x64xf32, #tpu.memory_space<hbm>>, %arg7: memref<10000xi32, #tpu.memory_space<vmem>>, %arg8: memref<10000xi32, #tpu.memory_space<vmem>>, %arg9: memref<10000xf32, #tpu.memory_space<vmem>>, %arg10: memref<10000xi32, #tpu.memory_space<vmem>>, %arg11: memref<16x64xf32, #tpu.memory_space<vmem>>, %arg12: memref<!tpu.dma_semaphore, #tpu.memory_space<semaphore_mem>>) attributes {dimension_semantics = [#tpu.dimension_semantics<core_parallel>, #tpu.dimension_semantics<subcore_parallel>], iteration_bounds = array<i64: 2, 16>, scalar_prefetch = 0 : i64, scratch_operands = 6 : i64, tpu.core_type = #tpu.core_type<sc_vector_subcore>, window_params = [{transform_indices = #map}, {transform_indices = #map}, {transform_indices = #map}, {transform_indices = #map}, {transform_indices = #map1}]} {
    %mul3A = arith.constant 16 : i32
    %mul3A_0 = arith.muli %arg0, %mul3A : i32
    %add3A = arith.addi %mul3A_0, %arg1 : i32
    tpu.enqueue_dma source(%arg4 : memref<10000xf32, #tpu.memory_space<hbm>>) target(%arg9 : memref<10000xf32, #tpu.memory_space<vmem>>) target_semaphore(%arg12 : memref<!tpu.dma_semaphore, #tpu.memory_space<semaphore_mem>>)
    tpu.enqueue_dma source(%arg5 : memref<10000xi32, #tpu.memory_space<hbm>>) target(%arg10 : memref<10000xi32, #tpu.memory_space<vmem>>) target_semaphore(%arg12 : memref<!tpu.dma_semaphore, #tpu.memory_space<semaphore_mem>>)
    %mul3A_1 = arith.constant 10000 : i32
    %mul3A_2 = arith.muli %add3A, %mul3A_1 : i32
    %dma_start3A = tpu.memref_slice %arg2[%mul3A_2] : memref<320000xi32, #tpu.memory_space<hbm>> -> memref<10000xi32, #tpu.memory_space<hbm>>
    %dma_start3A_3 = tpu.memref_slice %arg2[%mul3A_2] : memref<320000xi32, #tpu.memory_space<hbm>> -> memref<10000xi32, #tpu.memory_space<hbm>>
    tpu.enqueue_dma source(%dma_start3A_3 : memref<10000xi32, #tpu.memory_space<hbm>>) target(%arg7 : memref<10000xi32, #tpu.memory_space<vmem>>) target_semaphore(%arg12 : memref<!tpu.dma_semaphore, #tpu.memory_space<semaphore_mem>>)
    %mul3A_4 = arith.constant 10000 : i32
    %mul3A_5 = arith.muli %add3A, %mul3A_4 : i32
    %dma_start3A_6 = tpu.memref_slice %arg3[%mul3A_5] : memref<320000xi32, #tpu.memory_space<hbm>> -> memref<10000xi32, #tpu.memory_space<hbm>>
    %dma_start3A_7 = tpu.memref_slice %arg3[%mul3A_5] : memref<320000xi32, #tpu.memory_space<hbm>> -> memref<10000xi32, #tpu.memory_space<hbm>>
    tpu.enqueue_dma source(%dma_start3A_7 : memref<10000xi32, #tpu.memory_space<hbm>>) target(%arg8 : memref<10000xi32, #tpu.memory_space<vmem>>) target_semaphore(%arg12 : memref<!tpu.dma_semaphore, #tpu.memory_space<semaphore_mem>>)
    %broadcast_in_dim3A = arith.constant 0.000000e+00 : f32
    %broadcast_in_dim3A_8 = vector.broadcast %broadcast_in_dim3A : f32 to vector<16xf32>
    %swap3A = arith.constant 0 : i32
    %swap3A_9 = arith.index_cast %swap3A : i32 to index
    %swap3A_10 = arith.constant 0 : index
    %swap3A_11 = tpu.vector_load %arg11[%swap3A_9, %swap3A_10] {strides = array<i32>} : memref<16x64xf32, #tpu.memory_space<vmem>>, vector<16xf32>,
    tpu.vector_store %arg11[%swap3A_9, %swap3A_10], %broadcast_in_dim3A_8 {strides = array<i32>} : memref<16x64xf32, #tpu.memory_space<vmem>>, vector<16xf32>,
    %swap3A_12 = arith.constant 0 : i32
    %swap3A_13 = arith.index_cast %swap3A_12 : i32 to index
    %swap3A_14 = arith.constant 16 : index
    %swap3A_15 = tpu.vector_load %arg11[%swap3A_13, %swap3A_14] {strides = array<i32>} : memref<16x64xf32, #tpu.memory_space<vmem>>, vector<16xf32>,
    tpu.vector_store %arg11[%swap3A_13, %swap3A_14], %broadcast_in_dim3A_8 {strides = array<i32>} : memref<16x64xf32, #tpu.memory_space<vmem>>, vector<16xf32>,
    %swap3A_16 = arith.constant 0 : i32
    %swap3A_17 = arith.index_cast %swap3A_16 : i32 to index
    %swap3A_18 = arith.constant 32 : index
    %swap3A_19 = tpu.vector_load %arg11[%swap3A_17, %swap3A_18] {strides = array<i32>} : memref<16x64xf32, #tpu.memory_space<vmem>>, vector<16xf32>,
    tpu.vector_store %arg11[%swap3A_17, %swap3A_18], %broadcast_in_dim3A_8 {strides = array<i32>} : memref<16x64xf32, #tpu.memory_space<vmem>>, vector<16xf32>,
    %swap3A_20 = arith.constant 0 : i32
    %swap3A_21 = arith.index_cast %swap3A_20 : i32 to index
    %swap3A_22 = arith.constant 48 : index
    %swap3A_23 = tpu.vector_load %arg11[%swap3A_21, %swap3A_22] {strides = array<i32>} : memref<16x64xf32, #tpu.memory_space<vmem>>, vector<16xf32>,
    tpu.vector_store %arg11[%swap3A_21, %swap3A_22], %broadcast_in_dim3A_8 {strides = array<i32>} : memref<16x64xf32, #tpu.memory_space<vmem>>, vector<16xf32>,
    %swap3A_24 = arith.constant 1 : i32
    %swap3A_25 = arith.index_cast %swap3A_24 : i32 to index
    %swap3A_26 = arith.constant 0 : index
    %swap3A_27 = tpu.vector_load %arg11[%swap3A_25, %swap3A_26] {strides = array<i32>} : memref<16x64xf32, #tpu.memory_space<vmem>>, vector<16xf32>,
    tpu.vector_store %arg11[%swap3A_25, %swap3A_26], %broadcast_in_dim3A_8 {strides = array<i32>} : memref<16x64xf32, #tpu.memory_space<vmem>>, vector<16xf32>,
    %swap3A_28 = arith.constant 1 : i32
    %swap3A_29 = arith.index_cast %swap3A_28 : i32 to index
    %swap3A_30 = arith.constant 16 : index
    %swap3A_31 = tpu.vector_load %arg11[%swap3A_29, %swap3A_30] {strides = array<i32>} : memref<16x64xf32, #tpu.memory_space<vmem>>, vector<16xf32>,
    tpu.vector_store %arg11[%swap3A_29, %swap3A_30], %broadcast_in_dim3A_8 {strides = array<i32>} : memref<16x64xf32, #tpu.memory_space<vmem>>, vector<16xf32>,
    %swap3A_32 = arith.constant 1 : i32
    %swap3A_33 = arith.index_cast %swap3A_32 : i32 to index
    %swap3A_34 = arith.constant 32 : index
    %swap3A_35 = tpu.vector_load %arg11[%swap3A_33, %swap3A_34] {strides = array<i32>} : memref<16x64xf32, #tpu.memory_space<vmem>>, vector<16xf32>,
    tpu.vector_store %arg11[%swap3A_33, %swap3A_34], %broadcast_in_dim3A_8 {strides = array<i32>} : memref<16x64xf32, #tpu.memory_space<vmem>>, vector<16xf32>,
    %swap3A_36 = arith.constant 1 : i32
    %swap3A_37 = arith.index_cast %swap3A_36 : i32 to index
    %swap3A_38 = arith.constant 48 : index
    %swap3A_39 = tpu.vector_load %arg11[%swap3A_37, %swap3A_38] {strides = array<i32>} : memref<16x64xf32, #tpu.memory_space<vmem>>, vector<16xf32>,
    tpu.vector_store %arg11[%swap3A_37, %swap3A_38], %broadcast_in_dim3A_8 {strides = array<i32>} : memref<16x64xf32, #tpu.memory_space<vmem>>, vector<16xf32>,
    %swap3A_40 = arith.constant 2 : i32
    %swap3A_41 = arith.index_cast %swap3A_40 : i32 to index
    %swap3A_42 = arith.constant 0 : index
    %swap3A_43 = tpu.vector_load %arg11[%swap3A_41, %swap3A_42] {strides = array<i32>} : memref<16x64xf32, #tpu.memory_space<vmem>>, vector<16xf32>,
    tpu.vector_store %arg11[%swap3A_41, %swap3A_42], %broadcast_in_dim3A_8 {strides = array<i32>} : memref<16x64xf32, #tpu.memory_space<vmem>>, vector<16xf32>,
    %swap3A_44 = arith.constant 2 : i32
    %swap3A_45 = arith.index_cast %swap3A_44 : i32 to index
    %swap3A_46 = arith.constant 16 : index
    %swap3A_47 = tpu.vector_load %arg11[%swap3A_45, %swap3A_46] {strides = array<i32>} : memref<16x64xf32, #tpu.memory_space<vmem>>, vector<16xf32>,
    tpu.vector_store %arg11[%swap3A_45, %swap3A_46], %broadcast_in_dim3A_8 {strides = array<i32>} : memref<16x64xf32, #tpu.memory_space<vmem>>, vector<16xf32>,
    %swap3A_48 = arith.constant 2 : i32
    %swap3A_49 = arith.index_cast %swap3A_48 : i32 to index
    %swap3A_50 = arith.constant 32 : index
    %swap3A_51 = tpu.vector_load %arg11[%swap3A_49, %swap3A_50] {strides = array<i32>} : memref<16x64xf32, #tpu.memory_space<vmem>>, vector<16xf32>,
    tpu.vector_store %arg11[%swap3A_49, %swap3A_50], %broadcast_in_dim3A_8 {strides = array<i32>} : memref<16x64xf32, #tpu.memory_space<vmem>>, vector<16xf32>,
    %swap3A_52 = arith.constant 2 : i32
    %swap3A_53 = arith.index_cast %swap3A_52 : i32 to index
    %swap3A_54 = arith.constant 48 : index
    %swap3A_55 = tpu.vector_load %arg11[%swap3A_53, %swap3A_54] {strides = array<i32>} : memref<16x64xf32, #tpu.memory_space<vmem>>, vector<16xf32>,
    tpu.vector_store %arg11[%swap3A_53, %swap3A_54], %broadcast_in_dim3A_8 {strides = array<i32>} : memref<16x64xf32, #tpu.memory_space<vmem>>, vector<16xf32>,
    %swap3A_56 = arith.constant 3 : i32
    %swap3A_57 = arith.index_cast %swap3A_56 : i32 to index
    %swap3A_58 = arith.constant 0 : index
    %swap3A_59 = tpu.vector_load %arg11[%swap3A_57, %swap3A_58] {strides = array<i32>} : memref<16x64xf32, #tpu.memory_space<vmem>>, vector<16xf32>,
    tpu.vector_store %arg11[%swap3A_57, %swap3A_58], %broadcast_in_dim3A_8 {strides = array<i32>} : memref<16x64xf32, #tpu.memory_space<vmem>>, vector<16xf32>,
    %swap3A_60 = arith.constant 3 : i32
    %swap3A_61 = arith.index_cast %swap3A_60 : i32 to index
    %swap3A_62 = arith.constant 16 : index
    %swap3A_63 = tpu.vector_load %arg11[%swap3A_61, %swap3A_62] {strides = array<i32>} : memref<16x64xf32, #tpu.memory_space<vmem>>, vector<16xf32>,
    tpu.vector_store %arg11[%swap3A_61, %swap3A_62], %broadcast_in_dim3A_8 {strides = array<i32>} : memref<16x64xf32, #tpu.memory_space<vmem>>, vector<16xf32>,
    %swap3A_64 = arith.constant 3 : i32
    %swap3A_65 = arith.index_cast %swap3A_64 : i32 to index
    %swap3A_66 = arith.constant 32 : index
    %swap3A_67 = tpu.vector_load %arg11[%swap3A_65, %swap3A_66] {strides = array<i32>} : memref<16x64xf32, #tpu.memory_space<vmem>>, vector<16xf32>,
    tpu.vector_store %arg11[%swap3A_65, %swap3A_66], %broadcast_in_dim3A_8 {strides = array<i32>} : memref<16x64xf32, #tpu.memory_space<vmem>>, vector<16xf32>,
    %swap3A_68 = arith.constant 3 : i32
    %swap3A_69 = arith.index_cast %swap3A_68 : i32 to index
    %swap3A_70 = arith.constant 48 : index
    %swap3A_71 = tpu.vector_load %arg11[%swap3A_69, %swap3A_70] {strides = array<i32>} : memref<16x64xf32, #tpu.memory_space<vmem>>, vector<16xf32>,
    tpu.vector_store %arg11[%swap3A_69, %swap3A_70], %broadcast_in_dim3A_8 {strides = array<i32>} : memref<16x64xf32, #tpu.memory_space<vmem>>, vector<16xf32>,
    %swap3A_72 = arith.constant 4 : i32
    %swap3A_73 = arith.index_cast %swap3A_72 : i32 to index
    %swap3A_74 = arith.constant 0 : index
    %swap3A_75 = tpu.vector_load %arg11[%swap3A_73, %swap3A_74] {strides = array<i32>} : memref<16x64xf32, #tpu.memory_space<vmem>>, vector<16xf32>,
    tpu.vector_store %arg11[%swap3A_73, %swap3A_74], %broadcast_in_dim3A_8 {strides = array<i32>} : memref<16x64xf32, #tpu.memory_space<vmem>>, vector<16xf32>,
    %swap3A_76 = arith.constant 4 : i32
    %swap3A_77 = arith.index_cast %swap3A_76 : i32 to index
    %swap3A_78 = arith.constant 16 : index
    %swap3A_79 = tpu.vector_load %arg11[%swap3A_77, %swap3A_78] {strides = array<i32>} : memref<16x64xf32, #tpu.memory_space<vmem>>, vector<16xf32>,
    tpu.vector_store %arg11[%swap3A_77, %swap3A_78], %broadcast_in_dim3A_8 {strides = array<i32>} : memref<16x64xf32, #tpu.memory_space<vmem>>, vector<16xf32>,
    %swap3A_80 = arith.constant 4 : i32
    %swap3A_81 = arith.index_cast %swap3A_80 : i32 to index
    %swap3A_82 = arith.constant 32 : index
    %swap3A_83 = tpu.vector_load %arg11[%swap3A_81, %swap3A_82] {strides = array<i32>} : memref<16x64xf32, #tpu.memory_space<vmem>>, vector<16xf32>,
    tpu.vector_store %arg11[%swap3A_81, %swap3A_82], %broadcast_in_dim3A_8 {strides = array<i32>} : memref<16x64xf32, #tpu.memory_space<vmem>>, vector<16xf32>,
    %swap3A_84 = arith.constant 4 : i32
    %swap3A_85 = arith.index_cast %swap3A_84 : i32 to index
    %swap3A_86 = arith.constant 48 : index
    %swap3A_87 = tpu.vector_load %arg11[%swap3A_85, %swap3A_86] {strides = array<i32>} : memref<16x64xf32, #tpu.memory_space<vmem>>, vector<16xf32>,
    tpu.vector_store %arg11[%swap3A_85, %swap3A_86], %broadcast_in_dim3A_8 {strides = array<i32>} : memref<16x64xf32, #tpu.memory_space<vmem>>, vector<16xf32>,
    %swap3A_88 = arith.constant 5 : i32
    %swap3A_89 = arith.index_cast %swap3A_88 : i32 to index
    %swap3A_90 = arith.constant 0 : index
    %swap3A_91 = tpu.vector_load %arg11[%swap3A_89, %swap3A_90] {strides = array<i32>} : memref<16x64xf32, #tpu.memory_space<vmem>>, vector<16xf32>,
    tpu.vector_store %arg11[%swap3A_89, %swap3A_90], %broadcast_in_dim3A_8 {strides = array<i32>} : memref<16x64xf32, #tpu.memory_space<vmem>>, vector<16xf32>,
    %swap3A_92 = arith.constant 5 : i32
    %swap3A_93 = arith.index_cast %swap3A_92 : i32 to index
    %swap3A_94 = arith.constant 16 : index
    %swap3A_95 = tpu.vector_load %arg11[%swap3A_93, %swap3A_94] {strides = array<i32>} : memref<16x64xf32, #tpu.memory_space<vmem>>, vector<16xf32>,
    tpu.vector_store %arg11[%swap3A_93, %swap3A_94], %broadcast_in_dim3A_8 {strides = array<i32>} : memref<16x64xf32, #tpu.memory_space<vmem>>, vector<16xf32>,
    %swap3A_96 = arith.constant 5 : i32
    %swap3A_97 = arith.index_cast %swap3A_96 : i32 to index
    %swap3A_98 = arith.constant 32 : index
    %swap3A_99 = tpu.vector_load %arg11[%swap3A_97, %swap3A_98] {strides = array<i32>} : memref<16x64xf32, #tpu.memory_space<vmem>>, vector<16xf32>,
    tpu.vector_store %arg11[%swap3A_97, %swap3A_98], %broadcast_in_dim3A_8 {strides = array<i32>} : memref<16x64xf32, #tpu.memory_space<vmem>>, vector<16xf32>,
    %swap3A_100 = arith.constant 5 : i32
    %swap3A_101 = arith.index_cast %swap3A_100 : i32 to index
    %swap3A_102 = arith.constant 48 : index
    %swap3A_103 = tpu.vector_load %arg11[%swap3A_101, %swap3A_102] {strides = array<i32>} : memref<16x64xf32, #tpu.memory_space<vmem>>, vector<16xf32>,
    tpu.vector_store %arg11[%swap3A_101, %swap3A_102], %broadcast_in_dim3A_8 {strides = array<i32>} : memref<16x64xf32, #tpu.memory_space<vmem>>, vector<16xf32>,
    %swap3A_104 = arith.constant 6 : i32
    %swap3A_105 = arith.index_cast %swap3A_104 : i32 to index
    %swap3A_106 = arith.constant 0 : index
    %swap3A_107 = tpu.vector_load %arg11[%swap3A_105, %swap3A_106] {strides = array<i32>} : memref<16x64xf32, #tpu.memory_space<vmem>>, vector<16xf32>,
    tpu.vector_store %arg11[%swap3A_105, %swap3A_106], %broadcast_in_dim3A_8 {strides = array<i32>} : memref<16x64xf32, #tpu.memory_space<vmem>>, vector<16xf32>,
    %swap3A_108 = arith.constant 6 : i32
    %swap3A_109 = arith.index_cast %swap3A_108 : i32 to index
    %swap3A_110 = arith.constant 16 : index
    %swap3A_111 = tpu.vector_load %arg11[%swap3A_109, %swap3A_110] {strides = array<i32>} : memref<16x64xf32, #tpu.memory_space<vmem>>, vector<16xf32>,
    tpu.vector_store %arg11[%swap3A_109, %swap3A_110], %broadcast_in_dim3A_8 {strides = array<i32>} : memref<16x64xf32, #tpu.memory_space<vmem>>, vector<16xf32>,
    %swap3A_112 = arith.constant 6 : i32
    %swap3A_113 = arith.index_cast %swap3A_112 : i32 to index
    %swap3A_114 = arith.constant 32 : index
    %swap3A_115 = tpu.vector_load %arg11[%swap3A_113, %swap3A_114] {strides = array<i32>} : memref<16x64xf32, #tpu.memory_space<vmem>>, vector<16xf32>,
    tpu.vector_store %arg11[%swap3A_113, %swap3A_114], %broadcast_in_dim3A_8 {strides = array<i32>} : memref<16x64xf32, #tpu.memory_space<vmem>>, vector<16xf32>,
    %swap3A_116 = arith.constant 6 : i32
    %swap3A_117 = arith.index_cast %swap3A_116 : i32 to index
    %swap3A_118 = arith.constant 48 : index
    %swap3A_119 = tpu.vector_load %arg11[%swap3A_117, %swap3A_118] {strides = array<i32>} : memref<16x64xf32, #tpu.memory_space<vmem>>, vector<16xf32>,
    tpu.vector_store %arg11[%swap3A_117, %swap3A_118], %broadcast_in_dim3A_8 {strides = array<i32>} : memref<16x64xf32, #tpu.memory_space<vmem>>, vector<16xf32>,
    %swap3A_120 = arith.constant 7 : i32
    %swap3A_121 = arith.index_cast %swap3A_120 : i32 to index
    %swap3A_122 = arith.constant 0 : index
    %swap3A_123 = tpu.vector_load %arg11[%swap3A_121, %swap3A_122] {strides = array<i32>} : memref<16x64xf32, #tpu.memory_space<vmem>>, vector<16xf32>,
    tpu.vector_store %arg11[%swap3A_121, %swap3A_122], %broadcast_in_dim3A_8 {strides = array<i32>} : memref<16x64xf32, #tpu.memory_space<vmem>>, vector<16xf32>,
    %swap3A_124 = arith.constant 7 : i32
    %swap3A_125 = arith.index_cast %swap3A_124 : i32 to index
    %swap3A_126 = arith.constant 16 : index
    %swap3A_127 = tpu.vector_load %arg11[%swap3A_125, %swap3A_126] {strides = array<i32>} : memref<16x64xf32, #tpu.memory_space<vmem>>, vector<16xf32>,
    tpu.vector_store %arg11[%swap3A_125, %swap3A_126], %broadcast_in_dim3A_8 {strides = array<i32>} : memref<16x64xf32, #tpu.memory_space<vmem>>, vector<16xf32>,
    %swap3A_128 = arith.constant 7 : i32
    %swap3A_129 = arith.index_cast %swap3A_128 : i32 to index
    %swap3A_130 = arith.constant 32 : index
    %swap3A_131 = tpu.vector_load %arg11[%swap3A_129, %swap3A_130] {strides = array<i32>} : memref<16x64xf32, #tpu.memory_space<vmem>>, vector<16xf32>,
    tpu.vector_store %arg11[%swap3A_129, %swap3A_130], %broadcast_in_dim3A_8 {strides = array<i32>} : memref<16x64xf32, #tpu.memory_space<vmem>>, vector<16xf32>,
    %swap3A_132 = arith.constant 7 : i32
    %swap3A_133 = arith.index_cast %swap3A_132 : i32 to index
    %swap3A_134 = arith.constant 48 : index
    %swap3A_135 = tpu.vector_load %arg11[%swap3A_133, %swap3A_134] {strides = array<i32>} : memref<16x64xf32, #tpu.memory_space<vmem>>, vector<16xf32>,
    tpu.vector_store %arg11[%swap3A_133, %swap3A_134], %broadcast_in_dim3A_8 {strides = array<i32>} : memref<16x64xf32, #tpu.memory_space<vmem>>, vector<16xf32>,
    %swap3A_136 = arith.constant 8 : i32
    %swap3A_137 = arith.index_cast %swap3A_136 : i32 to index
    %swap3A_138 = arith.constant 0 : index
    %swap3A_139 = tpu.vector_load %arg11[%swap3A_137, %swap3A_138] {strides = array<i32>} : memref<16x64xf32, #tpu.memory_space<vmem>>, vector<16xf32>,
    tpu.vector_store %arg11[%swap3A_137, %swap3A_138], %broadcast_in_dim3A_8 {strides = array<i32>} : memref<16x64xf32, #tpu.memory_space<vmem>>, vector<16xf32>,
    %swap3A_140 = arith.constant 8 : i32
    %swap3A_141 = arith.index_cast %swap3A_140 : i32 to index
    %swap3A_142 = arith.constant 16 : index
    %swap3A_143 = tpu.vector_load %arg11[%swap3A_141, %swap3A_142] {strides = array<i32>} : memref<16x64xf32, #tpu.memory_space<vmem>>, vector<16xf32>,
    tpu.vector_store %arg11[%swap3A_141, %swap3A_142], %broadcast_in_dim3A_8 {strides = array<i32>} : memref<16x64xf32, #tpu.memory_space<vmem>>, vector<16xf32>,
    %swap3A_144 = arith.constant 8 : i32
    %swap3A_145 = arith.index_cast %swap3A_144 : i32 to index
    %swap3A_146 = arith.constant 32 : index
    %swap3A_147 = tpu.vector_load %arg11[%swap3A_145, %swap3A_146] {strides = array<i32>} : memref<16x64xf32, #tpu.memory_space<vmem>>, vector<16xf32>,
    tpu.vector_store %arg11[%swap3A_145, %swap3A_146], %broadcast_in_dim3A_8 {strides = array<i32>} : memref<16x64xf32, #tpu.memory_space<vmem>>, vector<16xf32>,
    %swap3A_148 = arith.constant 8 : i32
    %swap3A_149 = arith.index_cast %swap3A_148 : i32 to index
    %swap3A_150 = arith.constant 48 : index
    %swap3A_151 = tpu.vector_load %arg11[%swap3A_149, %swap3A_150] {strides = array<i32>} : memref<16x64xf32, #tpu.memory_space<vmem>>, vector<16xf32>,
    tpu.vector_store %arg11[%swap3A_149, %swap3A_150], %broadcast_in_dim3A_8 {strides = array<i32>} : memref<16x64xf32, #tpu.memory_space<vmem>>, vector<16xf32>,
    %swap3A_152 = arith.constant 9 : i32
    %swap3A_153 = arith.index_cast %swap3A_152 : i32 to index
    %swap3A_154 = arith.constant 0 : index
    %swap3A_155 = tpu.vector_load %arg11[%swap3A_153, %swap3A_154] {strides = array<i32>} : memref<16x64xf32, #tpu.memory_space<vmem>>, vector<16xf32>,
    tpu.vector_store %arg11[%swap3A_153, %swap3A_154], %broadcast_in_dim3A_8 {strides = array<i32>} : memref<16x64xf32, #tpu.memory_space<vmem>>, vector<16xf32>,
    %swap3A_156 = arith.constant 9 : i32
    %swap3A_157 = arith.index_cast %swap3A_156 : i32 to index
    %swap3A_158 = arith.constant 16 : index
    %swap3A_159 = tpu.vector_load %arg11[%swap3A_157, %swap3A_158] {strides = array<i32>} : memref<16x64xf32, #tpu.memory_space<vmem>>, vector<16xf32>,
    tpu.vector_store %arg11[%swap3A_157, %swap3A_158], %broadcast_in_dim3A_8 {strides = array<i32>} : memref<16x64xf32, #tpu.memory_space<vmem>>, vector<16xf32>,
    %swap3A_160 = arith.constant 9 : i32
    %swap3A_161 = arith.index_cast %swap3A_160 : i32 to index
    %swap3A_162 = arith.constant 32 : index
    %swap3A_163 = tpu.vector_load %arg11[%swap3A_161, %swap3A_162] {strides = array<i32>} : memref<16x64xf32, #tpu.memory_space<vmem>>, vector<16xf32>,
    tpu.vector_store %arg11[%swap3A_161, %swap3A_162], %broadcast_in_dim3A_8 {strides = array<i32>} : memref<16x64xf32, #tpu.memory_space<vmem>>, vector<16xf32>,
    %swap3A_164 = arith.constant 9 : i32
    %swap3A_165 = arith.index_cast %swap3A_164 : i32 to index
    %swap3A_166 = arith.constant 48 : index
    %swap3A_167 = tpu.vector_load %arg11[%swap3A_165, %swap3A_166] {strides = array<i32>} : memref<16x64xf32, #tpu.memory_space<vmem>>, vector<16xf32>,
    tpu.vector_store %arg11[%swap3A_165, %swap3A_166], %broadcast_in_dim3A_8 {strides = array<i32>} : memref<16x64xf32, #tpu.memory_space<vmem>>, vector<16xf32>,
    %swap3A_168 = arith.constant 10 : i32
    %swap3A_169 = arith.index_cast %swap3A_168 : i32 to index
    %swap3A_170 = arith.constant 0 : index
    %swap3A_171 = tpu.vector_load %arg11[%swap3A_169, %swap3A_170] {strides = array<i32>} : memref<16x64xf32, #tpu.memory_space<vmem>>, vector<16xf32>,
    tpu.vector_store %arg11[%swap3A_169, %swap3A_170], %broadcast_in_dim3A_8 {strides = array<i32>} : memref<16x64xf32, #tpu.memory_space<vmem>>, vector<16xf32>,
    %swap3A_172 = arith.constant 10 : i32
    %swap3A_173 = arith.index_cast %swap3A_172 : i32 to index
    %swap3A_174 = arith.constant 16 : index
    %swap3A_175 = tpu.vector_load %arg11[%swap3A_173, %swap3A_174] {strides = array<i32>} : memref<16x64xf32, #tpu.memory_space<vmem>>, vector<16xf32>,
    tpu.vector_store %arg11[%swap3A_173, %swap3A_174], %broadcast_in_dim3A_8 {strides = array<i32>} : memref<16x64xf32, #tpu.memory_space<vmem>>, vector<16xf32>,
    %swap3A_176 = arith.constant 10 : i32
    %swap3A_177 = arith.index_cast %swap3A_176 : i32 to index
    %swap3A_178 = arith.constant 32 : index
    %swap3A_179 = tpu.vector_load %arg11[%swap3A_177, %swap3A_178] {strides = array<i32>} : memref<16x64xf32, #tpu.memory_space<vmem>>, vector<16xf32>,
    tpu.vector_store %arg11[%swap3A_177, %swap3A_178], %broadcast_in_dim3A_8 {strides = array<i32>} : memref<16x64xf32, #tpu.memory_space<vmem>>, vector<16xf32>,
    %swap3A_180 = arith.constant 10 : i32
    %swap3A_181 = arith.index_cast %swap3A_180 : i32 to index
    %swap3A_182 = arith.constant 48 : index
    %swap3A_183 = tpu.vector_load %arg11[%swap3A_181, %swap3A_182] {strides = array<i32>} : memref<16x64xf32, #tpu.memory_space<vmem>>, vector<16xf32>,
    tpu.vector_store %arg11[%swap3A_181, %swap3A_182], %broadcast_in_dim3A_8 {strides = array<i32>} : memref<16x64xf32, #tpu.memory_space<vmem>>, vector<16xf32>,
    %swap3A_184 = arith.constant 11 : i32
    %swap3A_185 = arith.index_cast %swap3A_184 : i32 to index
    %swap3A_186 = arith.constant 0 : index
    %swap3A_187 = tpu.vector_load %arg11[%swap3A_185, %swap3A_186] {strides = array<i32>} : memref<16x64xf32, #tpu.memory_space<vmem>>, vector<16xf32>,
    tpu.vector_store %arg11[%swap3A_185, %swap3A_186], %broadcast_in_dim3A_8 {strides = array<i32>} : memref<16x64xf32, #tpu.memory_space<vmem>>, vector<16xf32>,
    %swap3A_188 = arith.constant 11 : i32
    %swap3A_189 = arith.index_cast %swap3A_188 : i32 to index
    %swap3A_190 = arith.constant 16 : index
    %swap3A_191 = tpu.vector_load %arg11[%swap3A_189, %swap3A_190] {strides = array<i32>} : memref<16x64xf32, #tpu.memory_space<vmem>>, vector<16xf32>,
    tpu.vector_store %arg11[%swap3A_189, %swap3A_190], %broadcast_in_dim3A_8 {strides = array<i32>} : memref<16x64xf32, #tpu.memory_space<vmem>>, vector<16xf32>,
    %swap3A_192 = arith.constant 11 : i32
    %swap3A_193 = arith.index_cast %swap3A_192 : i32 to index
    %swap3A_194 = arith.constant 32 : index
    %swap3A_195 = tpu.vector_load %arg11[%swap3A_193, %swap3A_194] {strides = array<i32>} : memref<16x64xf32, #tpu.memory_space<vmem>>, vector<16xf32>,
    tpu.vector_store %arg11[%swap3A_193, %swap3A_194], %broadcast_in_dim3A_8 {strides = array<i32>} : memref<16x64xf32, #tpu.memory_space<vmem>>, vector<16xf32>,
    %swap3A_196 = arith.constant 11 : i32
    %swap3A_197 = arith.index_cast %swap3A_196 : i32 to index
    %swap3A_198 = arith.constant 48 : index
    %swap3A_199 = tpu.vector_load %arg11[%swap3A_197, %swap3A_198] {strides = array<i32>} : memref<16x64xf32, #tpu.memory_space<vmem>>, vector<16xf32>,
    tpu.vector_store %arg11[%swap3A_197, %swap3A_198], %broadcast_in_dim3A_8 {strides = array<i32>} : memref<16x64xf32, #tpu.memory_space<vmem>>, vector<16xf32>,
    %swap3A_200 = arith.constant 12 : i32
    %swap3A_201 = arith.index_cast %swap3A_200 : i32 to index
    %swap3A_202 = arith.constant 0 : index
    %swap3A_203 = tpu.vector_load %arg11[%swap3A_201, %swap3A_202] {strides = array<i32>} : memref<16x64xf32, #tpu.memory_space<vmem>>, vector<16xf32>,
    tpu.vector_store %arg11[%swap3A_201, %swap3A_202], %broadcast_in_dim3A_8 {strides = array<i32>} : memref<16x64xf32, #tpu.memory_space<vmem>>, vector<16xf32>,
    %swap3A_204 = arith.constant 12 : i32
    %swap3A_205 = arith.index_cast %swap3A_204 : i32 to index
    %swap3A_206 = arith.constant 16 : index
    %swap3A_207 = tpu.vector_load %arg11[%swap3A_205, %swap3A_206] {strides = array<i32>} : memref<16x64xf32, #tpu.memory_space<vmem>>, vector<16xf32>,
    tpu.vector_store %arg11[%swap3A_205, %swap3A_206], %broadcast_in_dim3A_8 {strides = array<i32>} : memref<16x64xf32, #tpu.memory_space<vmem>>, vector<16xf32>,
    %swap3A_208 = arith.constant 12 : i32
    %swap3A_209 = arith.index_cast %swap3A_208 : i32 to index
    %swap3A_210 = arith.constant 32 : index
    %swap3A_211 = tpu.vector_load %arg11[%swap3A_209, %swap3A_210] {strides = array<i32>} : memref<16x64xf32, #tpu.memory_space<vmem>>, vector<16xf32>,
    tpu.vector_store %arg11[%swap3A_209, %swap3A_210], %broadcast_in_dim3A_8 {strides = array<i32>} : memref<16x64xf32, #tpu.memory_space<vmem>>, vector<16xf32>,
    %swap3A_212 = arith.constant 12 : i32
    %swap3A_213 = arith.index_cast %swap3A_212 : i32 to index
    %swap3A_214 = arith.constant 48 : index
    %swap3A_215 = tpu.vector_load %arg11[%swap3A_213, %swap3A_214] {strides = array<i32>} : memref<16x64xf32, #tpu.memory_space<vmem>>, vector<16xf32>,
    tpu.vector_store %arg11[%swap3A_213, %swap3A_214], %broadcast_in_dim3A_8 {strides = array<i32>} : memref<16x64xf32, #tpu.memory_space<vmem>>, vector<16xf32>,
    %swap3A_216 = arith.constant 13 : i32
    %swap3A_217 = arith.index_cast %swap3A_216 : i32 to index
    %swap3A_218 = arith.constant 0 : index
    %swap3A_219 = tpu.vector_load %arg11[%swap3A_217, %swap3A_218] {strides = array<i32>} : memref<16x64xf32, #tpu.memory_space<vmem>>, vector<16xf32>,
    tpu.vector_store %arg11[%swap3A_217, %swap3A_218], %broadcast_in_dim3A_8 {strides = array<i32>} : memref<16x64xf32, #tpu.memory_space<vmem>>, vector<16xf32>,
    %swap3A_220 = arith.constant 13 : i32
    %swap3A_221 = arith.index_cast %swap3A_220 : i32 to index
    %swap3A_222 = arith.constant 16 : index
    %swap3A_223 = tpu.vector_load %arg11[%swap3A_221, %swap3A_222] {strides = array<i32>} : memref<16x64xf32, #tpu.memory_space<vmem>>, vector<16xf32>,
    tpu.vector_store %arg11[%swap3A_221, %swap3A_222], %broadcast_in_dim3A_8 {strides = array<i32>} : memref<16x64xf32, #tpu.memory_space<vmem>>, vector<16xf32>,
    %swap3A_224 = arith.constant 13 : i32
    %swap3A_225 = arith.index_cast %swap3A_224 : i32 to index
    %swap3A_226 = arith.constant 32 : index
    %swap3A_227 = tpu.vector_load %arg11[%swap3A_225, %swap3A_226] {strides = array<i32>} : memref<16x64xf32, #tpu.memory_space<vmem>>, vector<16xf32>,
    tpu.vector_store %arg11[%swap3A_225, %swap3A_226], %broadcast_in_dim3A_8 {strides = array<i32>} : memref<16x64xf32, #tpu.memory_space<vmem>>, vector<16xf32>,
    %swap3A_228 = arith.constant 13 : i32
    %swap3A_229 = arith.index_cast %swap3A_228 : i32 to index
    %swap3A_230 = arith.constant 48 : index
    %swap3A_231 = tpu.vector_load %arg11[%swap3A_229, %swap3A_230] {strides = array<i32>} : memref<16x64xf32, #tpu.memory_space<vmem>>, vector<16xf32>,
    tpu.vector_store %arg11[%swap3A_229, %swap3A_230], %broadcast_in_dim3A_8 {strides = array<i32>} : memref<16x64xf32, #tpu.memory_space<vmem>>, vector<16xf32>,
    %swap3A_232 = arith.constant 14 : i32
    %swap3A_233 = arith.index_cast %swap3A_232 : i32 to index
    %swap3A_234 = arith.constant 0 : index
    %swap3A_235 = tpu.vector_load %arg11[%swap3A_233, %swap3A_234] {strides = array<i32>} : memref<16x64xf32, #tpu.memory_space<vmem>>, vector<16xf32>,
    tpu.vector_store %arg11[%swap3A_233, %swap3A_234], %broadcast_in_dim3A_8 {strides = array<i32>} : memref<16x64xf32, #tpu.memory_space<vmem>>, vector<16xf32>,
    %swap3A_236 = arith.constant 14 : i32
    %swap3A_237 = arith.index_cast %swap3A_236 : i32 to index
    %swap3A_238 = arith.constant 16 : index
    %swap3A_239 = tpu.vector_load %arg11[%swap3A_237, %swap3A_238] {strides = array<i32>} : memref<16x64xf32, #tpu.memory_space<vmem>>, vector<16xf32>,
    tpu.vector_store %arg11[%swap3A_237, %swap3A_238], %broadcast_in_dim3A_8 {strides = array<i32>} : memref<16x64xf32, #tpu.memory_space<vmem>>, vector<16xf32>,
    %swap3A_240 = arith.constant 14 : i32
    %swap3A_241 = arith.index_cast %swap3A_240 : i32 to index
    %swap3A_242 = arith.constant 32 : index
    %swap3A_243 = tpu.vector_load %arg11[%swap3A_241, %swap3A_242] {strides = array<i32>} : memref<16x64xf32, #tpu.memory_space<vmem>>, vector<16xf32>,
    tpu.vector_store %arg11[%swap3A_241, %swap3A_242], %broadcast_in_dim3A_8 {strides = array<i32>} : memref<16x64xf32, #tpu.memory_space<vmem>>, vector<16xf32>,
    %swap3A_244 = arith.constant 14 : i32
    %swap3A_245 = arith.index_cast %swap3A_244 : i32 to index
    %swap3A_246 = arith.constant 48 : index
    %swap3A_247 = tpu.vector_load %arg11[%swap3A_245, %swap3A_246] {strides = array<i32>} : memref<16x64xf32, #tpu.memory_space<vmem>>, vector<16xf32>,
    tpu.vector_store %arg11[%swap3A_245, %swap3A_246], %broadcast_in_dim3A_8 {strides = array<i32>} : memref<16x64xf32, #tpu.memory_space<vmem>>, vector<16xf32>,
    %swap3A_248 = arith.constant 15 : i32
    %swap3A_249 = arith.index_cast %swap3A_248 : i32 to index
    %swap3A_250 = arith.constant 0 : index
    %swap3A_251 = tpu.vector_load %arg11[%swap3A_249, %swap3A_250] {strides = array<i32>} : memref<16x64xf32, #tpu.memory_space<vmem>>, vector<16xf32>,
    tpu.vector_store %arg11[%swap3A_249, %swap3A_250], %broadcast_in_dim3A_8 {strides = array<i32>} : memref<16x64xf32, #tpu.memory_space<vmem>>, vector<16xf32>,
    %swap3A_252 = arith.constant 15 : i32
    %swap3A_253 = arith.index_cast %swap3A_252 : i32 to index
    %swap3A_254 = arith.constant 16 : index
    %swap3A_255 = tpu.vector_load %arg11[%swap3A_253, %swap3A_254] {strides = array<i32>} : memref<16x64xf32, #tpu.memory_space<vmem>>, vector<16xf32>,
    tpu.vector_store %arg11[%swap3A_253, %swap3A_254], %broadcast_in_dim3A_8 {strides = array<i32>} : memref<16x64xf32, #tpu.memory_space<vmem>>, vector<16xf32>,
    %swap3A_256 = arith.constant 15 : i32
    %swap3A_257 = arith.index_cast %swap3A_256 : i32 to index
    %swap3A_258 = arith.constant 32 : index
    %swap3A_259 = tpu.vector_load %arg11[%swap3A_257, %swap3A_258] {strides = array<i32>} : memref<16x64xf32, #tpu.memory_space<vmem>>, vector<16xf32>,
    tpu.vector_store %arg11[%swap3A_257, %swap3A_258], %broadcast_in_dim3A_8 {strides = array<i32>} : memref<16x64xf32, #tpu.memory_space<vmem>>, vector<16xf32>,
    %swap3A_260 = arith.constant 15 : i32
    %swap3A_261 = arith.index_cast %swap3A_260 : i32 to index
    %swap3A_262 = arith.constant 48 : index
    %swap3A_263 = tpu.vector_load %arg11[%swap3A_261, %swap3A_262] {strides = array<i32>} : memref<16x64xf32, #tpu.memory_space<vmem>>, vector<16xf32>,
    tpu.vector_store %arg11[%swap3A_261, %swap3A_262], %broadcast_in_dim3A_8 {strides = array<i32>} : memref<16x64xf32, #tpu.memory_space<vmem>>, vector<16xf32>,
    tpu.wait_dma2 semaphore(%arg12 : memref<!tpu.dma_semaphore, #tpu.memory_space<semaphore_mem>>) src(%arg4 : memref<10000xf32, #tpu.memory_space<hbm>>) dst(%arg9 : memref<10000xf32, #tpu.memory_space<vmem>>)
    tpu.wait_dma2 semaphore(%arg12 : memref<!tpu.dma_semaphore, #tpu.memory_space<semaphore_mem>>) src(%arg5 : memref<10000xi32, #tpu.memory_space<hbm>>) dst(%arg10 : memref<10000xi32, #tpu.memory_space<vmem>>)
    %dma_wait3A = arith.constant 0 : i32
    %dma_wait3A_264 = tpu.memref_slice %arg2[%dma_wait3A] : memref<320000xi32, #tpu.memory_space<hbm>> -> memref<10000xi32, #tpu.memory_space<hbm>>
    %dma_wait3A_265 = arith.constant 0 : i32
    %dma_wait3A_266 = tpu.memref_slice %arg2[%dma_wait3A_265] : memref<320000xi32, #tpu.memory_space<hbm>> -> memref<10000xi32, #tpu.memory_space<hbm>>
    tpu.wait_dma2 semaphore(%arg12 : memref<!tpu.dma_semaphore, #tpu.memory_space<semaphore_mem>>) src(%dma_wait3A_266 : memref<10000xi32, #tpu.memory_space<hbm>>) dst(%arg7 : memref<10000xi32, #tpu.memory_space<vmem>>)
    %dma_wait3A_267 = arith.constant 0 : i32
    %dma_wait3A_268 = tpu.memref_slice %arg3[%dma_wait3A_267] : memref<320000xi32, #tpu.memory_space<hbm>> -> memref<10000xi32, #tpu.memory_space<hbm>>
    %dma_wait3A_269 = arith.constant 0 : i32
    %dma_wait3A_270 = tpu.memref_slice %arg3[%dma_wait3A_269] : memref<320000xi32, #tpu.memory_space<hbm>> -> memref<10000xi32, #tpu.memory_space<hbm>>
    tpu.wait_dma2 semaphore(%arg12 : memref<!tpu.dma_semaphore, #tpu.memory_space<semaphore_mem>>) src(%dma_wait3A_270 : memref<10000xi32, #tpu.memory_space<hbm>>) dst(%arg8 : memref<10000xi32, #tpu.memory_space<vmem>>)
    %iota3A = tpu.iota {dimensions = array<i32: 0>} : vector<16xi32>
    %scan3A = arith.constant 0 : i32
    %scan3A_271 = arith.constant 0 : i32
    %scan3A_272 = arith.constant 125 : i32
    %scan3A_273 = arith.addi %scan3A_271, %scan3A_272 : i32
    %scan3A_274 = arith.constant 1 : i32
    scf.for %scan3A_276 = %scan3A_271 to %scan3A_273 step %scan3A_274  : i32 {
      %mul3A_277 = arith.constant 80 : i32
      %mul3A_278 = arith.muli %scan3A_276, %mul3A_277 : i32
      %add3A_279 = arith.constant 0 : i32
      %add3A_280 = arith.addi %mul3A_278, %add3A_279 : i32
      %get3A = arith.index_cast %add3A_280 : i32 to index
      %get3A_281 = tpu.vector_load %arg7[%get3A] {strides = array<i32>} : memref<10000xi32, #tpu.memory_space<vmem>>, vector<16xi32>,
      %get3A_282 = arith.index_cast %add3A_280 : i32 to index
      %get3A_283 = tpu.vector_load %arg8[%get3A_282] {strides = array<i32>} : memref<10000xi32, #tpu.memory_space<vmem>>, vector<16xi32>,
      %gather3A = tpu.vector_load_idx %arg9[%get3A_281] : memref<10000xf32, #tpu.memory_space<vmem>>[vector<16xi32>], vector<16xf32>,
      %gather3A_284 = tpu.vector_load_idx %arg10[%get3A_283] : memref<10000xi32, #tpu.memory_space<vmem>>[vector<16xi32>], vector<16xi32>,
      tpu.vector_store_idx %arg11[%iota3A, %gather3A_284], %gather3A {add = true} : memref<16x64xf32, #tpu.memory_space<vmem>>[vector<16xi32>, vector<16xi32>], vector<16xf32>,
      %add3A_285 = arith.constant 16 : i32
      %add3A_286 = arith.addi %mul3A_278, %add3A_285 : i32
      %get3A_287 = arith.index_cast %add3A_286 : i32 to index
      %get3A_288 = tpu.vector_load %arg7[%get3A_287] {strides = array<i32>} : memref<10000xi32, #tpu.memory_space<vmem>>, vector<16xi32>,
      %get3A_289 = arith.index_cast %add3A_286 : i32 to index
      %get3A_290 = tpu.vector_load %arg8[%get3A_289] {strides = array<i32>} : memref<10000xi32, #tpu.memory_space<vmem>>, vector<16xi32>,
      %gather3A_291 = tpu.vector_load_idx %arg9[%get3A_288] : memref<10000xf32, #tpu.memory_space<vmem>>[vector<16xi32>], vector<16xf32>,
      %gather3A_292 = tpu.vector_load_idx %arg10[%get3A_290] : memref<10000xi32, #tpu.memory_space<vmem>>[vector<16xi32>], vector<16xi32>,
      tpu.vector_store_idx %arg11[%iota3A, %gather3A_292], %gather3A_291 {add = true} : memref<16x64xf32, #tpu.memory_space<vmem>>[vector<16xi32>, vector<16xi32>], vector<16xf32>,
      %add3A_293 = arith.constant 32 : i32
      %add3A_294 = arith.addi %mul3A_278, %add3A_293 : i32
      %get3A_295 = arith.index_cast %add3A_294 : i32 to index
      %get3A_296 = tpu.vector_load %arg7[%get3A_295] {strides = array<i32>} : memref<10000xi32, #tpu.memory_space<vmem>>, vector<16xi32>,
      %get3A_297 = arith.index_cast %add3A_294 : i32 to index
      %get3A_298 = tpu.vector_load %arg8[%get3A_297] {strides = array<i32>} : memref<10000xi32, #tpu.memory_space<vmem>>, vector<16xi32>,
      %gather3A_299 = tpu.vector_load_idx %arg9[%get3A_296] : memref<10000xf32, #tpu.memory_space<vmem>>[vector<16xi32>], vector<16xf32>,
      %gather3A_300 = tpu.vector_load_idx %arg10[%get3A_298] : memref<10000xi32, #tpu.memory_space<vmem>>[vector<16xi32>], vector<16xi32>,
      tpu.vector_store_idx %arg11[%iota3A, %gather3A_300], %gather3A_299 {add = true} : memref<16x64xf32, #tpu.memory_space<vmem>>[vector<16xi32>, vector<16xi32>], vector<16xf32>,
      %add3A_301 = arith.constant 48 : i32
      %add3A_302 = arith.addi %mul3A_278, %add3A_301 : i32
      %get3A_303 = arith.index_cast %add3A_302 : i32 to index
      %get3A_304 = tpu.vector_load %arg7[%get3A_303] {strides = array<i32>} : memref<10000xi32, #tpu.memory_space<vmem>>, vector<16xi32>,
      %get3A_305 = arith.index_cast %add3A_302 : i32 to index
      %get3A_306 = tpu.vector_load %arg8[%get3A_305] {strides = array<i32>} : memref<10000xi32, #tpu.memory_space<vmem>>, vector<16xi32>,
      %gather3A_307 = tpu.vector_load_idx %arg9[%get3A_304] : memref<10000xf32, #tpu.memory_space<vmem>>[vector<16xi32>], vector<16xf32>,
      %gather3A_308 = tpu.vector_load_idx %arg10[%get3A_306] : memref<10000xi32, #tpu.memory_space<vmem>>[vector<16xi32>], vector<16xi32>,
      tpu.vector_store_idx %arg11[%iota3A, %gather3A_308], %gather3A_307 {add = true} : memref<16x64xf32, #tpu.memory_space<vmem>>[vector<16xi32>, vector<16xi32>], vector<16xf32>,
      %add3A_309 = arith.constant 64 : i32
      %add3A_310 = arith.addi %mul3A_278, %add3A_309 : i32
      %get3A_311 = arith.index_cast %add3A_310 : i32 to index
      %get3A_312 = tpu.vector_load %arg7[%get3A_311] {strides = array<i32>} : memref<10000xi32, #tpu.memory_space<vmem>>, vector<16xi32>,
      %get3A_313 = arith.index_cast %add3A_310 : i32 to index
      %get3A_314 = tpu.vector_load %arg8[%get3A_313] {strides = array<i32>} : memref<10000xi32, #tpu.memory_space<vmem>>, vector<16xi32>,
      %gather3A_315 = tpu.vector_load_idx %arg9[%get3A_312] : memref<10000xf32, #tpu.memory_space<vmem>>[vector<16xi32>], vector<16xf32>,
      %gather3A_316 = tpu.vector_load_idx %arg10[%get3A_314] : memref<10000xi32, #tpu.memory_space<vmem>>[vector<16xi32>], vector<16xi32>,
      tpu.vector_store_idx %arg11[%iota3A, %gather3A_316], %gather3A_315 {add = true} : memref<16x64xf32, #tpu.memory_space<vmem>>[vector<16xi32>, vector<16xi32>], vector<16xf32>,
    }
    %scan3A_275 = arith.constant 125 : i32
    "tpu.region"() ({
      %run_scoped3A = tpu.sem_alloc : memref<!tpu.dma_semaphore, #tpu.memory_space<semaphore_mem>>
      %dma_start3A_276 = arith.constant 0 : i32
      %dma_start3A_277 = arith.constant 0 : i32
      %dma_start3A_278 = tpu.memref_slice %arg6[%add3A, %dma_start3A_276, %dma_start3A_277] : memref<32x16x64xf32, #tpu.memory_space<hbm>> -> memref<1x16x64xf32, #tpu.memory_space<hbm>>
      %dma_start3A_279 = tpu.memref_squeeze %dma_start3A_278 : memref<1x16x64xf32, #tpu.memory_space<hbm>> -> memref<16x64xf32, #tpu.memory_space<hbm>>
      %dma_start3A_280 = arith.constant 0 : i32
      %dma_start3A_281 = arith.constant 0 : i32
      %dma_start3A_282 = tpu.memref_slice %arg6[%add3A, %dma_start3A_280, %dma_start3A_281] : memref<32x16x64xf32, #tpu.memory_space<hbm>> -> memref<1x16x64xf32, #tpu.memory_space<hbm>>
      %dma_start3A_283 = tpu.memref_squeeze %dma_start3A_282 : memref<1x16x64xf32, #tpu.memory_space<hbm>> -> memref<16x64xf32, #tpu.memory_space<hbm>>
      tpu.enqueue_dma source(%arg11 : memref<16x64xf32, #tpu.memory_space<vmem>>) target(%dma_start3A_283 : memref<16x64xf32, #tpu.memory_space<hbm>>) target_semaphore(%run_scoped3A : memref<!tpu.dma_semaphore, #tpu.memory_space<semaphore_mem>>)
      %dma_wait3A_284 = arith.constant 0 : i32
      %dma_wait3A_285 = arith.constant 0 : i32
      %dma_wait3A_286 = tpu.memref_slice %arg6[%add3A, %dma_wait3A_284, %dma_wait3A_285] : memref<32x16x64xf32, #tpu.memory_space<hbm>> -> memref<1x16x64xf32, #tpu.memory_space<hbm>>
      %dma_wait3A_287 = tpu.memref_squeeze %dma_wait3A_286 : memref<1x16x64xf32, #tpu.memory_space<hbm>> -> memref<16x64xf32, #tpu.memory_space<hbm>>
      %dma_wait3A_288 = arith.constant 0 : i32
      %dma_wait3A_289 = arith.constant 0 : i32
      %dma_wait3A_290 = tpu.memref_slice %arg6[%add3A, %dma_wait3A_288, %dma_wait3A_289] : memref<32x16x64xf32, #tpu.memory_space<hbm>> -> memref<1x16x64xf32, #tpu.memory_space<hbm>>
      %dma_wait3A_291 = tpu.memref_squeeze %dma_wait3A_290 : memref<1x16x64xf32, #tpu.memory_space<hbm>> -> memref<16x64xf32, #tpu.memory_space<hbm>>
      tpu.wait_dma2 semaphore(%run_scoped3A : memref<!tpu.dma_semaphore, #tpu.memory_space<semaphore_mem>>) src(%arg11 : memref<16x64xf32, #tpu.memory_space<vmem>>) dst(%dma_wait3A_291 : memref<16x64xf32, #tpu.memory_space<hbm>>)
      tpu.yield
    }) : () -> ()
    return
  }
}

module attributes {stable_mosaic.version = 14 : i64} {
  func.func @_h_body(%arg0: memref<10000x128xf32, #tpu.memory_space<vmem>>, %arg1: memref<128x128xf32, #tpu.memory_space<vmem>>, %arg2: memref<10000x128xf32, #tpu.memory_space<vmem>>) attributes {dimension_semantics = [], scalar_prefetch = 0 : i64, scratch_operands = 0 : i64, tpu.core_type = #tpu.core_type<tc>} {
    %get3A = arith.constant 0 : index
    %get3A_0 = arith.constant 0 : index
    %get3A_1 = vector.load %arg0[%get3A, %get3A_0] : memref<10000x128xf32, #tpu.memory_space<vmem>>, vector<10000x128xf32>
    %get3A_2 = arith.constant 0 : index
    %get3A_3 = arith.constant 0 : index
    %get3A_4 = vector.load %arg1[%get3A_2, %get3A_3] : memref<128x128xf32, #tpu.memory_space<vmem>>, vector<128x128xf32>
    %dot_general3A = arith.constant dense<0.000000e+00> : vector<10000x128xf32>
    %dot_general3A_5 = tpu.matmul %get3A_1, %get3A_4, %dot_general3A {dimension_numbers = #tpu.dot_dimension_numbers<[1], [0], [0], [1], [0, 0, 1, 1], [], []>, transpose_lhs_hint = false} : vector<10000x128xf32>, vector<128x128xf32>, vector<10000x128xf32> -> vector<10000x128xf32>
    %swap3A = arith.constant 0 : index
    %swap3A_6 = arith.constant 0 : index
    %swap3A_7 = vector.load %arg2[%swap3A, %swap3A_6] : memref<10000x128xf32, #tpu.memory_space<vmem>>, vector<10000x128xf32>
    tpu.vector_store %arg2[%swap3A, %swap3A_6], %dot_general3A_5 {strides = array<i32>} : memref<10000x128xf32, #tpu.memory_space<vmem>>, vector<10000x128xf32>,
    return
  }
}

module attributes {stable_mosaic.version = 14 : i64} {
  func.func @_s_body(%arg0: memref<2x10000x128xf32, #tpu.memory_space<vmem>>, %arg1: memref<128x128xf32, #tpu.memory_space<vmem>>, %arg2: memref<128x1xf32, #tpu.memory_space<vmem>>, %arg3: memref<10000xf32, #tpu.memory_space<vmem>>) attributes {dimension_semantics = [], scalar_prefetch = 0 : i64, scratch_operands = 0 : i64, tpu.core_type = #tpu.core_type<tc>} {
    %get3A = arith.constant 0 : index
    %get3A_0 = arith.constant 0 : index
    %get3A_1 = arith.constant 0 : index
    %get3A_2 = vector.load %arg0[%get3A, %get3A_0, %get3A_1] : memref<2x10000x128xf32, #tpu.memory_space<vmem>>, vector<1x10000x128xf32>
    %get3A_3 = vector.shape_cast %get3A_2 : vector<1x10000x128xf32> to vector<10000x128xf32>
    %get3A_4 = arith.constant 1 : index
    %get3A_5 = arith.constant 0 : index
    %get3A_6 = arith.constant 0 : index
    %get3A_7 = vector.load %arg0[%get3A_4, %get3A_5, %get3A_6] : memref<2x10000x128xf32, #tpu.memory_space<vmem>>, vector<1x10000x128xf32>
    %get3A_8 = vector.shape_cast %get3A_7 : vector<1x10000x128xf32> to vector<10000x128xf32>
    %add3A = arith.addf %get3A_3, %get3A_8 : vector<10000x128xf32>
    %max3A = arith.constant 0.000000e+00 : f32
    %max3A_9 = vector.broadcast %max3A : f32 to vector<10000x128xf32>
    %max3A_10 = arith.maximumf %add3A, %max3A_9 : vector<10000x128xf32>
    %get3A_11 = arith.constant 0 : index
    %get3A_12 = arith.constant 0 : index
    %get3A_13 = vector.load %arg1[%get3A_11, %get3A_12] : memref<128x128xf32, #tpu.memory_space<vmem>>, vector<128x128xf32>
    %get3A_14 = arith.constant 0 : index
    %get3A_15 = arith.constant 0 : index
    %get3A_16 = vector.load %arg2[%get3A_14, %get3A_15] : memref<128x1xf32, #tpu.memory_space<vmem>>, vector<128x1xf32>
    %dot_general3A = arith.constant dense<0.000000e+00> : vector<128x1xf32>
    %dot_general3A_17 = tpu.matmul %get3A_13, %get3A_16, %dot_general3A {dimension_numbers = #tpu.dot_dimension_numbers<[1], [0], [0], [1], [0, 0, 1, 1], [], []>, transpose_lhs_hint = false} : vector<128x128xf32>, vector<128x1xf32>, vector<128x1xf32> -> vector<128x1xf32>
    %dot_general3A_18 = arith.constant dense<0.000000e+00> : vector<10000x1xf32>
    %dot_general3A_19 = tpu.matmul %max3A_10, %dot_general3A_17, %dot_general3A_18 {dimension_numbers = #tpu.dot_dimension_numbers<[1], [0], [0], [1], [0, 0, 1, 1], [], []>, transpose_lhs_hint = false} : vector<10000x128xf32>, vector<128x1xf32>, vector<10000x1xf32> -> vector<10000x1xf32>
    %squeeze3A = vector.shape_cast %dot_general3A_19 : vector<10000x1xf32> to vector<10000xf32>
    %swap3A = arith.constant 0 : index
    %swap3A_20 = vector.load %arg3[%swap3A] : memref<10000xf32, #tpu.memory_space<vmem>>, vector<10000xf32>
    tpu.vector_store %arg3[%swap3A], %squeeze3A {strides = array<i32>} : memref<10000xf32, #tpu.memory_space<vmem>>, vector<10000xf32>,
    return
  }
}

module attributes {stable_mosaic.version = 14 : i64} {
  func.func @_out_body(%arg0: memref<32x16x64xf32, #tpu.memory_space<vmem>>, %arg1: memref<10000x1xi32, #tpu.memory_space<vmem>>, %arg2: memref<1x1xf32, #tpu.memory_space<vmem>>, %arg3: memref<1x64xf32, #tpu.memory_space<vmem>>) attributes {dimension_semantics = [], scalar_prefetch = 0 : i64, scratch_operands = 0 : i64, tpu.core_type = #tpu.core_type<tc>} {
    %get3A = arith.constant 0 : index
    %get3A_0 = arith.constant 0 : index
    %get3A_1 = arith.constant 0 : index
    %get3A_2 = vector.load %arg0[%get3A, %get3A_0, %get3A_1] : memref<32x16x64xf32, #tpu.memory_space<vmem>>, vector<32x16x64xf32>
    %reshape3A = vector.shape_cast %get3A_2 : vector<32x16x64xf32> to vector<512x64xf32>
    %reduce_sum3A = arith.constant dense<0.000000e+00> : vector<64xf32>
    %reduce_sum3A_3 = vector.multi_reduction <add>, %reshape3A, %reduce_sum3A [0] : vector<512x64xf32> to vector<64xf32>
    %broadcast_in_dim3A = vector.shape_cast %reduce_sum3A_3 : vector<64xf32> to vector<1x64xf32>
    %get3A_4 = arith.constant 0 : index
    %get3A_5 = arith.constant 0 : index
    %get3A_6 = vector.load %arg1[%get3A_4, %get3A_5] : memref<10000x1xi32, #tpu.memory_space<vmem>>, vector<10000x1xi32>
    %iota3A = tpu.iota {dimensions = array<i32: 1>} : vector<1x64xi32>
    %eq3A = vector.broadcast %get3A_6 : vector<10000x1xi32> to vector<10000x64xi32>
    %eq3A_7 = vector.broadcast %iota3A : vector<1x64xi32> to vector<10000x64xi32>
    %eq3A_8 = arith.cmpi eq, %eq3A, %eq3A_7 : vector<10000x64xi32>
    %convert_element_type3A = arith.extui %eq3A_8 : vector<10000x64xi1> to vector<10000x64xi32>
    %convert_element_type3A_9 = arith.sitofp %convert_element_type3A : vector<10000x64xi32> to vector<10000x64xf32>
    %reduce_sum3A_10 = arith.constant dense<0.000000e+00> : vector<64xf32>
    %reduce_sum3A_11 = vector.multi_reduction <add>, %convert_element_type3A_9, %reduce_sum3A_10 [0] : vector<10000x64xf32> to vector<64xf32>
    %broadcast_in_dim3A_12 = vector.shape_cast %reduce_sum3A_11 : vector<64xf32> to vector<1x64xf32>
    %max3A = arith.constant 1.000000e+00 : f32
    %max3A_13 = vector.broadcast %max3A : f32 to vector<1x64xf32>
    %max3A_14 = arith.maximumf %broadcast_in_dim3A_12, %max3A_13 : vector<1x64xf32>
    %div3A = arith.divf %broadcast_in_dim3A, %max3A_14 : vector<1x64xf32>
    %get3A_15 = arith.constant 0 : index
    %get3A_16 = arith.constant 0 : index
    %get3A_17 = vector.load %arg2[%get3A_15, %get3A_16] : memref<1x1xf32, #tpu.memory_space<vmem>>, vector<1x1xf32>
    %get3A_18 = vector.extract %get3A_17[0, 0] : f32 from vector<1x1xf32>
    %add3A = vector.broadcast %get3A_18 : f32 to vector<1x64xf32>
    %add3A_19 = arith.addf %div3A, %add3A : vector<1x64xf32>
    %logistic3A = arith.negf %add3A_19 : vector<1x64xf32>
    %logistic3A_20 = math.exp %logistic3A : vector<1x64xf32>
    %logistic3A_21 = arith.constant 1.000000e+00 : f32
    %logistic3A_22 = vector.broadcast %logistic3A_21 : f32 to vector<1x64xf32>
    %logistic3A_23 = arith.addf %logistic3A_22, %logistic3A_20 : vector<1x64xf32>
    %logistic3A_24 = arith.divf %logistic3A_22, %logistic3A_23 : vector<1x64xf32>
    %swap3A = arith.constant 0 : index
    %swap3A_25 = arith.constant 0 : index
    %swap3A_26 = vector.load %arg3[%swap3A, %swap3A_25] : memref<1x64xf32, #tpu.memory_space<vmem>>, vector<1x64xf32>
    tpu.vector_store %arg3[%swap3A, %swap3A_25], %logistic3A_24 {strides = array<i32>} : memref<1x64xf32, #tpu.memory_space<vmem>>, vector<1x64xf32>,
    return
  }
}

</mosaic_0001>

<sc_bundles>
// kernel: kernel.10.cloned.1.call-start
scs
__scs_entry_jumppad:
0x0: {  	(pc) =	sbr.rel $0x88, $3  }
0x1: {  	(tag) =	ssettag $0x0;
	lr =	simm.s32 $0x1  }
0x2: {  	[smem:$0x3F9A] =	sst lr;
	_ =	strace $0xD0000000  }
0x3: {  	_ = 	snop  }
0x4: {  	_ = 	snop  }
0x5: {  	_ = 	snop  }
0x6: {  	_ = 	snop  }
0x7: {  	_ = 	snop  }
__scs_overlays_trampoline_lowered:
0x8: {  	[smem:$0x3FA9] =	sst s0  }
0x9: {  	[smem:$0x3FAA] =	sst s1  }
0xa: {  	[smem:$0x3FAB] =	sst s2  }
0xb: {  	[smem:$0x3FAC] =	sst s3  }
0xc: {  	[smem:$0x3FAD] =	sst s4  }
0xd: {  	[smem:$0x3FAE] =	sst s5  }
0xe: {  	[smem:$0x3FAF] =	sst s6  }
0xf: {  	[smem:$0x3FB0] =	sst s7  }
0x10: {  	[smem:$0x3FB1] =	sst s8  }
0x11: {  	[smem:$0x3FB2] =	sst s9;
	s0 =	simm.s32 @!p0 $0x0  }
0x12: {  	s1 =	sld [smem:$0x3F98];
	s0 =	simm.s32 @p0 $0x1  }
0x13: {  	[smem:$0x3FB3] =	sst s0;
	s0 =	simm.s32 @!p1 $0x0  }
0x14: {  	s2 =	sld [smem:$0x3F97];
	s0 =	simm.s32 @p1 $0x1  }
0x15: {  	[smem:$0x3FB4] =	sst s0;
	s0 =	simm.s32 @!p2 $0x0  }
0x16: {  	s3 =	sld [smem:$0x3FDB];
	s0 =	simm.s32 @p2 $0x1  }
0x17: {  	s4 =	simm.s32 $0x1BF5;
	[smem:$0x3FB6] =	sst s0  }
0x18: {  	s0 =	sld [smem:$0x3F99];
	_ =	swait.ge [sflag:s4], $0x0  }
0x19: {  	s7 =	sld [smem:$0x3F9A]  }
0x1a: {  	s8 =	sadd.s32 $0xFFFFE003, lr  }
0x1b: {  	s9 =	sadd.s32 $0xFFFFFEF7, lr;
	s5 =	simm.s32 $0xFFFFFFFF;
	p2 =	slt.u32 s8, $0xFFFFF086  }
0x1c: {  	p1 =	slt.u32 s9, $0xF7A;
	s5 =	simm.s32 @!p2 $0x0  }
0x1d: {  	s5 =	simm.s32 @p1 $0x1;
	p0 =	seq.s32 s7, s2  }
0x1e: {  	s7 =	smul.u32 @!p0 $0xF7A, s2;
	p2 =	seq.s32 @!p0 s5, $0x0  }
0x1f: {  	s9 =	smul.u32 $0xF7A, s1;
	s8 =	simm.s32 @!p0 $0x1BF5;
	p2 =	por !p2, p0  }
0x20: {  	[sflag:s8] =	ssyncset.s32 @!p0 $0xFFFFF086;
	s6 =	sadd.s32 @!p0 s3, s7;
	s7 =	simm.s32 @!p0 $0x108  }
0x21: {  	s3 =	sadd.s32 s3, s9;
	s6 =	sadd.s32 @!p0 $0x88, s6;
	s7 =	simm.s32 @p2 $0x1082  }
0x22: {  	[simem:s7], [sflag:s8] =	dma.local @!p0 [hbm:s6], $0xF7A  }
0x23: {  	s9 =	sor.u32 $0xD0000000, s2;
	s6 =	simm.s32 $0x108;
	_ =	swait.ge @!p0 [sflag:s8], $0x0  }
0x24: {  	s3 =	sadd.s32 $0x88, s3;
	s6 =	simm.s32 @!p1 $0x1082;
	[sflag:s4] =	ssyncset.s32 $0xFFFFF086  }
0x25: {  	[simem:s6], [sflag:s4] =	dma.local [hbm:s3], $0xF7A  }
0x26: {  	[smem:$0x3F9A] =	sst s1;
	(tag) =	ssettag s2;
	_ =	strace s9  }
0x27: {  	s1 =	sld [smem:$0x3FAA]  }
0x28: {  	s2 =	sld [smem:$0x3FAB]  }
0x29: {  	s4 =	sld [smem:$0x3FAD]  }
0x2a: {  	p0 =	seq.s32 s5, $0x0;
	s5 =	sld [smem:$0x3FAE]  }
0x2b: {  	s6 =	sld [smem:$0x3FAF]  }
0x2c: {  	s7 =	sld [smem:$0x3FB0]  }
0x2d: {  	s3 =	simm.s32 $0x108;
	s8 =	sld [smem:$0x3FB1]  }
0x2e: {  	s3 =	simm.s32 @!p0 $0x1082;
	s9 =	sld [smem:$0x3FB2]  }
0x2f: {  	lr =	sadd.s32 s0, s3;
	s0 =	sld [smem:$0x3FA9]  }
0x30: {  	s3 =	sld [smem:$0x3FAC]  }
0x31: {  	[smem:$0x3FB5] =	sst s10  }
0x32: {  	s10 =	sld [smem:$0x3FB3];
	_ =	sdelay $0x3  }
0x33: {  	p0 =	seq.s32 s10, $0x1;
	s10 =	sld [smem:$0x3FB5];
	_ =	sdelay $0x3  }
0x34: {  	[smem:$0x3FB5] =	sst s10  }
0x35: {  	s10 =	sld [smem:$0x3FB4];
	_ =	sdelay $0x3  }
0x36: {  	p1 =	seq.s32 s10, $0x1;
	s10 =	sld [smem:$0x3FB5];
	_ =	sdelay $0x3  }
0x37: {  	[smem:$0x3FB5] =	sst s10  }
0x38: {  	s10 =	sld [smem:$0x3FB6]  }
0x39: {  	_ = 	snop;
	(pc) =	sbr.ind lr, $3  }
0x3a: {  	_ = 	snop  }
0x3b: {  	_ = 	snop  }
0x3c: {  	p2 =	seq.s32 s10, $0x1;
	s10 =	sld [smem:$0x3FB5]  }
0x3d: {  	_ =	shalt  }
0x3e: {  	_ =	shalt  }
0x3f: {  	_ =	shalt  }
0x40: {  	_ =	shalt  }
0x41: {  	_ =	shalt  }
0x42: {  	_ =	shalt  }
0x43: {  	_ =	shalt  }
0x44: {  	_ =	shalt  }
0x45: {  	_ =	shalt  }
0x46: {  	_ =	shalt  }
0x47: {  	_ =	shalt  }
0x48: {  	_ =	shalt  }
0x49: {  	_ =	shalt  }
0x4a: {  	_ =	shalt  }
0x4b: {  	_ =	shalt  }
0x4c: {  	_ =	shalt  }
0x4d: {  	_ =	shalt  }
0x4e: {  	_ =	shalt  }
0x4f: {  	_ =	shalt  }
0x50: {  	_ =	shalt  }
0x51: {  	_ =	shalt  }
0x52: {  	_ =	shalt  }
0x53: {  	_ =	shalt  }
0x54: {  	_ =	shalt  }
0x55: {  	_ =	shalt  }
0x56: {  	_ =	shalt  }
0x57: {  	_ =	shalt  }
0x58: {  	_ =	shalt  }
0x59: {  	_ =	shalt  }
0x5a: {  	_ =	shalt  }
0x5b: {  	_ =	shalt  }
0x5c: {  	_ =	shalt  }
0x5d: {  	_ =	shalt  }
0x5e: {  	_ =	shalt  }
0x5f: {  	_ =	shalt  }
0x60: {  	_ =	shalt  }
0x61: {  	_ =	shalt  }
0x62: {  	_ =	shalt  }
0x63: {  	_ =	shalt  }
0x64: {  	_ =	shalt  }
0x65: {  	_ =	shalt  }
0x66: {  	_ =	shalt  }
0x67: {  	_ =	shalt  }
0x68: {  	_ =	shalt  }
0x69: {  	_ =	shalt  }
0x6a: {  	_ =	shalt  }
0x6b: {  	_ =	shalt  }
0x6c: {  	_ =	shalt  }
0x6d: {  	_ =	shalt  }
0x6e: {  	_ =	shalt  }
0x6f: {  	_ =	shalt  }
0x70: {  	_ =	shalt  }
0x71: {  	_ =	shalt  }
0x72: {  	_ =	shalt  }
0x73: {  	_ =	shalt  }
0x74: {  	_ =	shalt  }
0x75: {  	_ =	shalt  }
0x76: {  	_ =	shalt  }
0x77: {  	_ =	shalt  }
0x78: {  	_ =	shalt  }
0x79: {  	_ =	shalt  }
0x7a: {  	_ =	shalt  }
0x7b: {  	_ =	shalt  }
0x7c: {  	_ =	shalt  }
0x7d: {  	_ =	shalt  }
0x7e: {  	_ =	shalt  }
0x7f: {  	_ =	shalt  }
0x80: {  	_ =	shalt  }
0x81: {  	_ =	shalt  }
0x82: {  	_ =	shalt  }
0x83: {  	_ =	shalt  }
0x84: {  	_ =	shalt  }
0x85: {  	_ =	shalt  }
0x86: {  	_ =	shalt  }
0x87: {  	_ =	shalt  }
.Lfunc_end0:
.L_simem_size_0:
called_computation.1_lowered:
.L_overlay_start_0:
0x88: {  	s2 =	sld [smem:$0x3FD9]  }
0x89: {  	s3 =	sld [smem:$0x3FFE];
	_ =	sdelay $0x1  }
0x8a: {  	s1 =	srdreg.scid  }
0x8b: {  	s0 =	sand.u32 $0x1, s1  }
0x8c: {  	s17 =	sshll.u32 s0, $0xA;
	s2 =	sadd.s32 s3, s2  }
0x8d: {  	s2 =	sadd.s32 s2, s17  }
0x8e: {  	[smem:$0x3FC1] =	sst s2  }
0x8f: {  	_ = 	snop  }
0x90: {  	s2 =	sld [smem:$0x3FC7];
	(tm) =	ssettm $0x1  }
0x91: {  	s18 =	sld [smem:$0x3FFB];
	_ =	sdelay $0x3  }
0x92: {  	_ =	strace s18  }
0x93: {  	s3 =	sld [smem:$0x3FFC];
	_ =	sdelay $0x3  }
0x94: {  	_ =	strace s3  }
0x95: {  	s3 =	sld [smem:$0x3FFD];
	_ =	sdelay $0x3  }
0x96: {  	_ =	strace s3  }
0x97: {  	_ =	strace $0x8FFFFFFF  }
0x98: {  	s19 =	sld [smem:$0x3FDB];
	_ =	sdelay $0x1  }
0x99: {  	s4 =	simm.s32 $_scs_section_size  }
0x9a: {  	s5 =	simm.s32 $_size__tile_overlayer_lowered;
	s6 =	simm.s32 $_tile_overlayer_lowered  }
0x9b: {  	s22 =	simm.s32 $0x1BFF;
	s21 =	sshll.u32 s6, $0x1;
	s3 =	sadd.s32 s4, s19  }
0x9c: {  	s7 =	simm.s32 $0x0;
	s20 =	sshll.u32 s5, $0x1;
	s5 =	sadd.s32 s21, s3  }
0x9d: {  	[timem:s7], [sflag:s22] =	dma.local [hbm:s5], s20  }
0x9e: {  	_ =	swait.ge [sflag:s22], s20  }
0x9f: {  	s4 =	ssub.s32 $0x0, s20;
	[sflag:s22] =	ssyncset.done $0x0  }
0xa0: {  	[sflag:s22] =	ssyncadd.s32 s4;
	_ =	sdelay $0x1  }
0xa1: {  	s23 =	simm.s32 $0x1B8B  }
0xa2: {  	_ =	swait.ge [sflag:s23], $0x1  }
0xa3: {  	[sflag:s23] =	ssyncset.done $0x0  }
0xa4: {  	s25 =	simm.s32 $0x1B8E;
	s24 =	sld [smem:$0x3FFE];
	[sflag:s23] =	ssyncadd.s32 $0xFFFFFFFF  }
0xa5: {  	s26 =	simm.s32 $execute0_lowered;
	[smem:$0x3FD2] =	sst s25  }
0xa6: {  	s5 =	sshll.u32 s26, $0x1;
	_ =	strace $0x80000049;
	[dreg:$0x1] =	wrdreg $0xFFFFFFFF  }
0xa7: {  	s28 =	simm.s32 $_size_execute0_lowered;
	s3 =	sadd.s32 s3, s5;
	[dreg:$0x0] =	wrdreg $0x0  }
0xa8: {  	s5 =	sshll.u32 s28, $0x1;
	[dreg:$0x2] =	wrdreg s3  }
0xa9: {  	[dreg:$0x3] =	wrdreg s5  }
0xaa: {  	[dreg:$0x4] =	wrdreg $0xC0  }
0xab: {  	_ =	task [dreg:s7], $0x5FFFF  }
0xac: {  	[dreg:$0x1] =	wrdreg $0xFFFFFFFF  }
0xad: {  	[dreg:$0x0] =	wrdreg $0x60  }
0xae: {  	[dreg:$0x2] =	wrdreg s24  }
0xaf: {  	[dreg:$0x3] =	wrdreg s2  }
0xb0: {  	[dreg:$0x4] =	wrdreg $0x9  }
0xb1: {  	_ =	task.clear_ibuf [dreg:s7], $0x5FFFF;
	_ =	strace $0x90000049  }
0xb2: {  	s29 =	simm.s32 $0x9;
	_ =	strace $0x8000004B  }
0xb3: {  	_ =	swait.ge [sflag:s29], $0x1  }
0xb4: {  	[sflag:s29] =	ssyncadd.s32 $0xFFFFFFFF  }
0xb5: {  	_ =	strace $0x9000004B  }
0xb6: {  	_ =	sfence  }
0xb7: {  	s30 =	sld [smem:$0x0];
	_ =	sdelay $0x2  }
0xb8: {  	s31 =	sshll.u32 s1, $0xD;
	s1 =	sshrl.u32 s1, $0x2  }
0xb9: {  	s3 =	sand.u32 $0x4000, s31;
	s1 =	sadd.s32 s1, s30  }
0xba: {  	s0 =	sor.u32 s3, s0;
	s1 =	sshll.u32 s1, $0x11  }
0xbb: {  	s0 =	sor.u32 s1, s0  }
0xbc: {  	s0 =	sadd.s32 $0x8F2B, s0  }
0xbd: {  	[sflag:s0] =	ssyncadd.remote.s32 $0x1  }
0xbe: {  	_ =	sfence.sel $0xFFFF  }
0xbf: {  	[dreg:$0x0] =	wrdreg $0xFFFFFFFF;
	(pc) =	sbr.abs _section_cstart, $3  }
0xc0: {  	[dreg:$0x1] =	wrdreg $0xFFFFFFFF  }
0xc1: {  	_ =	task.clear_ibuf [dreg:s7], $0x2FFFF;
	_ =	strace $0x9FFFFFFF  }
0xc2: {  	(tm) =	ssettm $0x7FFFFFFF  }
0xc3: {  	_ =	shalt  }
tec
execute0_lowered:
.L_overlay_start_1:
0x0: {  	(tag) =	ssettag $0x1  }
0x1: {  	s5 =	rddreg [dreg:$0x0]  }
0x2: {  	s0 =	srdreg.scid;
	s2 =	rddreg [dreg:$0x1]  }
0x3: {  	s1 =	stileid.u32;
	s3 =	simm.s32 $0x0;
	s10 =	simm.s32 $0x7680  }
0x4: {  	s11 =	simm.s32 $0x2780;
	s12 =	simm.s32 $0x1;
	s4 =	sand.u32 $0x1, s0  }
0x5: {  	s13 =	simm.s32 $0x9E00;
	s14 =	simm.s32 $0x2;
	s6 =	sshll.u32 s4, $0x4  }
0x6: {  	s15 =	simm.s32 $0x0;
	s0 =	rddreg [dreg:$0x2];
	s6 =	sor.u32 s1, s6  }
0x7: {  	[smem:$0x7FF] =	sst s3;
	s8 =	ssub.s32 $0x2, s4;
	s7 =	smul.u32 $0x4E2, s6  }
0x8: {  	_ =	strace $0x8000004A;
	s4 =	sadd.s32 $0x15600, s5;
	s31 =	sshrl.u32 s8, $0x1  }
0x9: {  	s6 =	sshll.u32 s6, $0x8;
	s8 =	ssub.s32 s8, s31;
	s7 =	sadd.s32 s7, s5  }
0xa: {  	v1 =	vlaneseq.u32;
	s9 =	sadd.s32 s6, s5;
	s8 =	smax.u32 s8, $0x1;
	s5 =	sadd.s32 $0x1A00, s7  }
0xb: {  	v0 =	vimm.f32 $0.0e+00;
	v1 =	vmul.u32 $0x80, v1;
	s6 =	sadd.s32 $0xB800, s7;
	s7 =	sadd.s32 $0x15C00, s9;
	s9 =	simm.s32 $0x4F00  }
.LBB2_1:
0xc: {  	[tilespmem:s9], [sflag:$0x1] =	stream.linear.gather [hbm4b:s4+s3], $0x2780, $0x38;
	[tilespmem:$0xA600] =	vst v63  }
0xd: {  	_ = 	snop  }
0xe: {  	[tilespmem:s10], [sflag:$0x1] =	stream.linear.gather [hbm4b:s2+s3], $0x2780, $0x38;
	[tilespmem:$0xA600] =	vst v63  }
0xf: {  	_ = 	snop  }
0x10: {  	[tilespmem:s3], [sflag:$0x1] =	stream.linear.gather [hbm4b:s5+s3], $0x2710, $0x38;
	[tilespmem:$0xA600] =	vst v63  }
0x11: {  	_ = 	snop  }
0x12: {  	[tilespmem:s11], [sflag:$0x1] =	stream.linear.gather [hbm4b:s6+s3], $0x2710, $0x38;
	[tilespmem:$0xA600] =	vst v63  }
0x13: {  	[tilespmem:$0x9E00] =	vst v0  }
0x14: {  	[tilespmem:$0x9E10] =	vst v0  }
0x15: {  	[tilespmem:$0x9E20] =	vst v0  }
0x16: {  	[tilespmem:$0x9E30] =	vst v0  }
0x17: {  	[tilespmem:$0x9E80] =	vst v0  }
0x18: {  	[tilespmem:$0x9E90] =	vst v0  }
0x19: {  	[tilespmem:$0x9EA0] =	vst v0  }
0x1a: {  	[tilespmem:$0x9EB0] =	vst v0  }
0x1b: {  	[tilespmem:$0x9F00] =	vst v0  }
0x1c: {  	[tilespmem:$0x9F10] =	vst v0  }
0x1d: {  	[tilespmem:$0x9F20] =	vst v0  }
0x1e: {  	[tilespmem:$0x9F30] =	vst v0  }
0x1f: {  	[tilespmem:$0x9F80] =	vst v0  }
0x20: {  	[tilespmem:$0x9F90] =	vst v0  }
0x21: {  	[tilespmem:$0x9FA0] =	vst v0  }
0x22: {  	[tilespmem:$0x9FB0] =	vst v0  }
0x23: {  	[tilespmem:$0xA000] =	vst v0  }
0x24: {  	[tilespmem:$0xA010] =	vst v0  }
0x25: {  	[tilespmem:$0xA020] =	vst v0  }
0x26: {  	[tilespmem:$0xA030] =	vst v0  }
0x27: {  	[tilespmem:$0xA080] =	vst v0  }
0x28: {  	[tilespmem:$0xA090] =	vst v0  }
0x29: {  	[tilespmem:$0xA0A0] =	vst v0  }
0x2a: {  	[tilespmem:$0xA0B0] =	vst v0  }
0x2b: {  	[tilespmem:$0xA100] =	vst v0  }
0x2c: {  	[tilespmem:$0xA110] =	vst v0  }
0x2d: {  	[tilespmem:$0xA120] =	vst v0  }
0x2e: {  	[tilespmem:$0xA130] =	vst v0  }
0x2f: {  	[tilespmem:$0xA180] =	vst v0  }
0x30: {  	[tilespmem:$0xA190] =	vst v0  }
0x31: {  	[tilespmem:$0xA1A0] =	vst v0  }
0x32: {  	[tilespmem:$0xA1B0] =	vst v0  }
0x33: {  	[tilespmem:$0xA200] =	vst v0  }
0x34: {  	[tilespmem:$0xA210] =	vst v0  }
0x35: {  	[tilespmem:$0xA220] =	vst v0  }
0x36: {  	[tilespmem:$0xA230] =	vst v0  }
0x37: {  	[tilespmem:$0xA280] =	vst v0  }
0x38: {  	[tilespmem:$0xA290] =	vst v0  }
0x39: {  	[tilespmem:$0xA2A0] =	vst v0  }
0x3a: {  	[tilespmem:$0xA2B0] =	vst v0  }
0x3b: {  	[tilespmem:$0xA300] =	vst v0  }
0x3c: {  	[tilespmem:$0xA310] =	vst v0  }
0x3d: {  	[tilespmem:$0xA320] =	vst v0  }
0x3e: {  	[tilespmem:$0xA330] =	vst v0  }
0x3f: {  	[tilespmem:$0xA380] =	vst v0  }
0x40: {  	[tilespmem:$0xA390] =	vst v0  }
0x41: {  	[tilespmem:$0xA3A0] =	vst v0  }
0x42: {  	[tilespmem:$0xA3B0] =	vst v0  }
0x43: {  	[tilespmem:$0xA400] =	vst v0  }
0x44: {  	[tilespmem:$0xA410] =	vst v0  }
0x45: {  	[tilespmem:$0xA420] =	vst v0  }
0x46: {  	[tilespmem:$0xA430] =	vst v0  }
0x47: {  	[tilespmem:$0xA480] =	vst v0  }
0x48: {  	[tilespmem:$0xA490] =	vst v0  }
0x49: {  	[tilespmem:$0xA4A0] =	vst v0  }
0x4a: {  	[tilespmem:$0xA4B0] =	vst v0  }
0x4b: {  	[tilespmem:$0xA500] =	vst v0  }
0x4c: {  	[tilespmem:$0xA510] =	vst v0  }
0x4d: {  	[tilespmem:$0xA520] =	vst v0  }
0x4e: {  	[tilespmem:$0xA530] =	vst v0  }
0x4f: {  	[tilespmem:$0xA580] =	vst v0  }
0x50: {  	[tilespmem:$0xA590] =	vst v0  }
0x51: {  	[tilespmem:$0xA5A0] =	vst v0  }
0x52: {  	[tilespmem:$0xA5B0] =	vst v0  }
0x53: {  	_ =	swait.ge [sflag:s12], $0x2780  }
0x54: {  	[sflag:s12] =	ssyncset.done $0x0  }
0x55: {  	[sflag:s12] =	ssyncadd.s32 $0xFFFFD880  }
0x56: {  	_ =	swait.ge [sflag:s12], $0x2780  }
0x57: {  	[sflag:s12] =	ssyncset.done $0x0  }
0x58: {  	[sflag:s12] =	ssyncadd.s32 $0xFFFFD880  }
0x59: {  	_ =	swait.ge [sflag:s12], $0x2710  }
0x5a: {  	[sflag:s12] =	ssyncset.done $0x0  }
0x5b: {  	[sflag:s12] =	ssyncadd.s32 $0xFFFFD8F0  }
0x5c: {  	_ =	swait.ge [sflag:s12], $0x2710  }
0x5d: {  	[sflag:s12] =	ssyncset.done $0x0  }
0x5e: {  	s16 =	simm.s32 $0x0;
	[sflag:s12] =	ssyncadd.s32 $0xFFFFD8F0  }
.LBB2_2:
0x5f: {  	s17 =	sshra.s32 s16, $0x2  }
0x60: {  	v2 =	vld [tilespmem:s17+$0x2780];
	_ =	sdelay $0x4  }
0x61: {  	v3 =	vld [tilespmem:s17+$0x0];
	_ =	sdelay $0x2  }
0x62: {  	v2 =	vld.idx.msk [tilespmem:v2+s10+$0x0], $0xffff;
	_ =	sdelay $0x4  }
0x63: {  	v3 =	vld.idx.msk [tilespmem:v3+s9+$0x0], $0xffff;
	v2 =	vadd.s32 v1, v2;
	_ =	sdelay $0x4  }
0x64: {  	[tilespmem:v2+s13+$0x0] =	vst.idx.add.f32.msk $0xffff, v3  }
0x65: {  	v2 =	vld [tilespmem:s17+$0x2790];
	_ =	sdelay $0x4  }
0x66: {  	v3 =	vld [tilespmem:s17+$0x10];
	_ =	sdelay $0x2  }
0x67: {  	v2 =	vld.idx.msk [tilespmem:v2+s10+$0x0], $0xffff;
	_ =	sdelay $0x4  }
0x68: {  	v3 =	vld.idx.msk [tilespmem:v3+s9+$0x0], $0xffff;
	v2 =	vadd.s32 v1, v2;
	_ =	sdelay $0x4  }
0x69: {  	[tilespmem:v2+s13+$0x0] =	vst.idx.add.f32.msk $0xffff, v3  }
0x6a: {  	v2 =	vld [tilespmem:s17+$0x27A0];
	_ =	sdelay $0x4  }
0x6b: {  	v3 =	vld [tilespmem:s17+$0x20];
	_ =	sdelay $0x2  }
0x6c: {  	v2 =	vld.idx.msk [tilespmem:v2+s10+$0x0], $0xffff;
	_ =	sdelay $0x4  }
0x6d: {  	v3 =	vld.idx.msk [tilespmem:v3+s9+$0x0], $0xffff;
	v2 =	vadd.s32 v1, v2;
	_ =	sdelay $0x4  }
0x6e: {  	[tilespmem:v2+s13+$0x0] =	vst.idx.add.f32.msk $0xffff, v3  }
0x6f: {  	v2 =	vld [tilespmem:s17+$0x27B0];
	_ =	sdelay $0x4  }
0x70: {  	v3 =	vld [tilespmem:s17+$0x30];
	_ =	sdelay $0x2  }
0x71: {  	v2 =	vld.idx.msk [tilespmem:v2+s10+$0x0], $0xffff;
	_ =	sdelay $0x4  }
0x72: {  	v3 =	vld.idx.msk [tilespmem:v3+s9+$0x0], $0xffff;
	v2 =	vadd.s32 v1, v2;
	_ =	sdelay $0x4  }
0x73: {  	[tilespmem:v2+s13+$0x0] =	vst.idx.add.f32.msk $0xffff, v3  }
0x74: {  	v2 =	vld [tilespmem:s17+$0x27C0];
	_ =	sdelay $0x4  }
0x75: {  	v3 =	vld [tilespmem:s17+$0x40];
	_ =	sdelay $0x2  }
0x76: {  	v2 =	vld.idx.msk [tilespmem:v2+s10+$0x0], $0xffff;
	_ =	sdelay $0x4  }
0x77: {  	p0 =	sne.s32 s16, $0x9B00;
	v3 =	vld.idx.msk [tilespmem:v3+s9+$0x0], $0xffff;
	v2 =	vadd.s32 v1, v2  }
.Ltmp0:
0x78: {  	_ = 	snop;
	(pc) =	sbr.rel @p0 .LBB2_2-.Ltmp0, $2  }
0x79: {  	_ =	sdelay $0x2  }
0x7a: {  	s16 =	sadd.s32 $0x140, s16;
	[tilespmem:v2+s13+$0x0] =	vst.idx.add.f32.msk $0xffff, v3  }
0x7b: {  	s15 =	sadd.s32 $0x1, s15  }
0x7c: {  	p0 =	sne.s32 s15, s8  }
.Ltmp1:
0x7d: {  	_ = 	snop;
	(pc) =	sbr.rel @p0 .LBB2_1-.Ltmp1, $4  }
0x7e: {  	[hbm4b:s7+s3] =	stream.linear.scatter [tilespmem:s13], [sflag:$0x2], $0x800, $0x38;
	[tilespmem:$0xA600] =	vst v63  }
0x7f: {  	_ =	swait.ge [sflag:s14], $0x800  }
0x80: {  	[sflag:s14] =	ssyncset.done $0x0  }
0x81: {  	[sflag:s14] =	ssyncadd.s32 $0xFFFFF800  }
0x82: {  	_ =	sfence.sel $0x180000  }
0x83: {  	[bflag:$0x0] =	sbarrier.arrive $0xFFFF  }
0x84: {  	p0 =	sne.s32 s1, $0x0;
	_ =	strace $0x9000004A  }
0x85: {  	s0 =	sadd.s32 @!p0 $0x100000, s0;
	[bflag:$0x2] =	sbarrier.arrive $0xFFFF  }
0x86: {  	[sflag:s0] =	ssyncadd.tile.s32 @!p0 $0x1;
	_ =	shalt  }
.Lfunc_end2:
_tile_overlayer_lowered:
.L_overlay_start_2:
0x87: {  	(tag) =	ssettag $0x2  }
0x88: {  	s0 =	rddreg [dreg:$0x0];
	s2 =	stileid.u32  }
0x89: {  	s1 =	rddreg [dreg:$0x1];
	p0 =	sne.s32 s2, $0x0  }
0x8a: {  	s3 =	rddreg [dreg:$0x2];
	[bflag:$0x3] =	sbarrier.arrive $0xFFFF;
	s2 =	simm.s32 @!p0 $0x1C02  }
0x8b: {  	[timem:s3], [sflag:s2] =	dma.local @!p0 [hbm:s0], s1  }
0x8c: {  	s0 =	simm.s32 @!p0 $0x2  }
0x8d: {  	_ =	swait.ge @!p0 [sflag:s0], s1  }
0x8e: {  	s1 =	ssub.s32 @!p0 $0x0, s1;
	[sflag:s0] =	ssyncset.done @!p0 $0x0  }
0x8f: {  	[sflag:s0] =	ssyncadd.s32 @!p0 s1  }
0x90: {  	[bflag:$0x3] =	sbarrier.arrive $0xFFFF  }
0x91: {  	_ =	shalt  }

// kernel: kernel.7.cloned.1.call-start
scs
__scs_entry_jumppad:
0x0: {  	(pc) =	sbr.rel $0x88, $3  }
0x1: {  	(tag) =	ssettag $0x0;
	lr =	simm.s32 $0x1  }
0x2: {  	[smem:$0x3F9A] =	sst lr;
	_ =	strace $0xD0000000  }
0x3: {  	_ = 	snop  }
0x4: {  	_ = 	snop  }
0x5: {  	_ = 	snop  }
0x6: {  	_ = 	snop  }
0x7: {  	_ = 	snop  }
__scs_overlays_trampoline_lowered:
0x8: {  	[smem:$0x3FA9] =	sst s0  }
0x9: {  	[smem:$0x3FAA] =	sst s1  }
0xa: {  	[smem:$0x3FAB] =	sst s2  }
0xb: {  	[smem:$0x3FAC] =	sst s3  }
0xc: {  	[smem:$0x3FAD] =	sst s4  }
0xd: {  	[smem:$0x3FAE] =	sst s5  }
0xe: {  	[smem:$0x3FAF] =	sst s6  }
0xf: {  	[smem:$0x3FB0] =	sst s7  }
0x10: {  	[smem:$0x3FB1] =	sst s8  }
0x11: {  	[smem:$0x3FB2] =	sst s9;
	s0 =	simm.s32 @!p0 $0x0  }
0x12: {  	s1 =	sld [smem:$0x3F98];
	s0 =	simm.s32 @p0 $0x1  }
0x13: {  	[smem:$0x3FB3] =	sst s0;
	s0 =	simm.s32 @!p1 $0x0  }
0x14: {  	s2 =	sld [smem:$0x3F97];
	s0 =	simm.s32 @p1 $0x1  }
0x15: {  	[smem:$0x3FB4] =	sst s0;
	s0 =	simm.s32 @!p2 $0x0  }
0x16: {  	s3 =	sld [smem:$0x3FDB];
	s0 =	simm.s32 @p2 $0x1  }
0x17: {  	s4 =	simm.s32 $0x1BF5;
	[smem:$0x3FB6] =	sst s0  }
0x18: {  	s0 =	sld [smem:$0x3F99];
	_ =	swait.ge [sflag:s4], $0x0  }
0x19: {  	s7 =	sld [smem:$0x3F9A]  }
0x1a: {  	s8 =	sadd.s32 $0xFFFFE003, lr  }
0x1b: {  	s9 =	sadd.s32 $0xFFFFFEF7, lr;
	s5 =	simm.s32 $0xFFFFFFFF;
	p2 =	slt.u32 s8, $0xFFFFF086  }
0x1c: {  	p1 =	slt.u32 s9, $0xF7A;
	s5 =	simm.s32 @!p2 $0x0  }
0x1d: {  	s5 =	simm.s32 @p1 $0x1;
	p0 =	seq.s32 s7, s2  }
0x1e: {  	s7 =	smul.u32 @!p0 $0xF7A, s2;
	p2 =	seq.s32 @!p0 s5, $0x0  }
0x1f: {  	s9 =	smul.u32 $0xF7A, s1;
	s8 =	simm.s32 @!p0 $0x1BF5;
	p2 =	por !p2, p0  }
0x20: {  	[sflag:s8] =	ssyncset.s32 @!p0 $0xFFFFF086;
	s6 =	sadd.s32 @!p0 s3, s7;
	s7 =	simm.s32 @!p0 $0x108  }
0x21: {  	s3 =	sadd.s32 s3, s9;
	s6 =	sadd.s32 @!p0 $0x88, s6;
	s7 =	simm.s32 @p2 $0x1082  }
0x22: {  	[simem:s7], [sflag:s8] =	dma.local @!p0 [hbm:s6], $0xF7A  }
0x23: {  	s9 =	sor.u32 $0xD0000000, s2;
	s6 =	simm.s32 $0x108;
	_ =	swait.ge @!p0 [sflag:s8], $0x0  }
0x24: {  	s3 =	sadd.s32 $0x88, s3;
	s6 =	simm.s32 @!p1 $0x1082;
	[sflag:s4] =	ssyncset.s32 $0xFFFFF086  }
0x25: {  	[simem:s6], [sflag:s4] =	dma.local [hbm:s3], $0xF7A  }
0x26: {  	[smem:$0x3F9A] =	sst s1;
	(tag) =	ssettag s2;
	_ =	strace s9  }
0x27: {  	s1 =	sld [smem:$0x3FAA]  }
0x28: {  	s2 =	sld [smem:$0x3FAB]  }
0x29: {  	s4 =	sld [smem:$0x3FAD]  }
0x2a: {  	p0 =	seq.s32 s5, $0x0;
	s5 =	sld [smem:$0x3FAE]  }
0x2b: {  	s6 =	sld [smem:$0x3FAF]  }
0x2c: {  	s7 =	sld [smem:$0x3FB0]  }
0x2d: {  	s3 =	simm.s32 $0x108;
	s8 =	sld [smem:$0x3FB1]  }
0x2e: {  	s3 =	simm.s32 @!p0 $0x1082;
	s9 =	sld [smem:$0x3FB2]  }
0x2f: {  	lr =	sadd.s32 s0, s3;
	s0 =	sld [smem:$0x3FA9]  }
0x30: {  	s3 =	sld [smem:$0x3FAC]  }
0x31: {  	[smem:$0x3FB5] =	sst s10  }
0x32: {  	s10 =	sld [smem:$0x3FB3];
	_ =	sdelay $0x3  }
0x33: {  	p0 =	seq.s32 s10, $0x1;
	s10 =	sld [smem:$0x3FB5];
	_ =	sdelay $0x3  }
0x34: {  	[smem:$0x3FB5] =	sst s10  }
0x35: {  	s10 =	sld [smem:$0x3FB4];
	_ =	sdelay $0x3  }
0x36: {  	p1 =	seq.s32 s10, $0x1;
	s10 =	sld [smem:$0x3FB5];
	_ =	sdelay $0x3  }
0x37: {  	[smem:$0x3FB5] =	sst s10  }
0x38: {  	s10 =	sld [smem:$0x3FB6]  }
0x39: {  	_ = 	snop;
	(pc) =	sbr.ind lr, $3  }
0x3a: {  	_ = 	snop  }
0x3b: {  	_ = 	snop  }
0x3c: {  	p2 =	seq.s32 s10, $0x1;
	s10 =	sld [smem:$0x3FB5]  }
0x3d: {  	_ =	shalt  }
0x3e: {  	_ =	shalt  }
0x3f: {  	_ =	shalt  }
0x40: {  	_ =	shalt  }
0x41: {  	_ =	shalt  }
0x42: {  	_ =	shalt  }
0x43: {  	_ =	shalt  }
0x44: {  	_ =	shalt  }
0x45: {  	_ =	shalt  }
0x46: {  	_ =	shalt  }
0x47: {  	_ =	shalt  }
0x48: {  	_ =	shalt  }
0x49: {  	_ =	shalt  }
0x4a: {  	_ =	shalt  }
0x4b: {  	_ =	shalt  }
0x4c: {  	_ =	shalt  }
0x4d: {  	_ =	shalt  }
0x4e: {  	_ =	shalt  }
0x4f: {  	_ =	shalt  }
0x50: {  	_ =	shalt  }
0x51: {  	_ =	shalt  }
0x52: {  	_ =	shalt  }
0x53: {  	_ =	shalt  }
0x54: {  	_ =	shalt  }
0x55: {  	_ =	shalt  }
0x56: {  	_ =	shalt  }
0x57: {  	_ =	shalt  }
0x58: {  	_ =	shalt  }
0x59: {  	_ =	shalt  }
0x5a: {  	_ =	shalt  }
0x5b: {  	_ =	shalt  }
0x5c: {  	_ =	shalt  }
0x5d: {  	_ =	shalt  }
0x5e: {  	_ =	shalt  }
0x5f: {  	_ =	shalt  }
0x60: {  	_ =	shalt  }
0x61: {  	_ =	shalt  }
0x62: {  	_ =	shalt  }
0x63: {  	_ =	shalt  }
0x64: {  	_ =	shalt  }
0x65: {  	_ =	shalt  }
0x66: {  	_ =	shalt  }
0x67: {  	_ =	shalt  }
0x68: {  	_ =	shalt  }
0x69: {  	_ =	shalt  }
0x6a: {  	_ =	shalt  }
0x6b: {  	_ =	shalt  }
0x6c: {  	_ =	shalt  }
0x6d: {  	_ =	shalt  }
0x6e: {  	_ =	shalt  }
0x6f: {  	_ =	shalt  }
0x70: {  	_ =	shalt  }
0x71: {  	_ =	shalt  }
0x72: {  	_ =	shalt  }
0x73: {  	_ =	shalt  }
0x74: {  	_ =	shalt  }
0x75: {  	_ =	shalt  }
0x76: {  	_ =	shalt  }
0x77: {  	_ =	shalt  }
0x78: {  	_ =	shalt  }
0x79: {  	_ =	shalt  }
0x7a: {  	_ =	shalt  }
0x7b: {  	_ =	shalt  }
0x7c: {  	_ =	shalt  }
0x7d: {  	_ =	shalt  }
0x7e: {  	_ =	shalt  }
0x7f: {  	_ =	shalt  }
0x80: {  	_ =	shalt  }
0x81: {  	_ =	shalt  }
0x82: {  	_ =	shalt  }
0x83: {  	_ =	shalt  }
0x84: {  	_ =	shalt  }
0x85: {  	_ =	shalt  }
0x86: {  	_ =	shalt  }
0x87: {  	_ =	shalt  }
.Lfunc_end0:
.L_simem_size_0:
called_computation_lowered:
.L_overlay_start_0:
0x88: {  	s2 =	sld [smem:$0x3FD9]  }
0x89: {  	s3 =	sld [smem:$0x3FFE];
	_ =	sdelay $0x1  }
0x8a: {  	s1 =	srdreg.scid  }
0x8b: {  	s0 =	sand.u32 $0x1, s1  }
0x8c: {  	s16 =	sshll.u32 s0, $0xA;
	s2 =	sadd.s32 s3, s2  }
0x8d: {  	s2 =	sadd.s32 s2, s16  }
0x8e: {  	[smem:$0x3FC1] =	sst s2  }
0x8f: {  	_ = 	snop  }
0x90: {  	(tm) =	ssettm $0x1  }
0x91: {  	s17 =	sld [smem:$0x3FFB];
	_ =	sdelay $0x3  }
0x92: {  	_ =	strace s17  }
0x93: {  	s2 =	sld [smem:$0x3FFC];
	_ =	sdelay $0x3  }
0x94: {  	_ =	strace s2  }
0x95: {  	s2 =	sld [smem:$0x3FFD];
	_ =	sdelay $0x3  }
0x96: {  	_ =	strace s2  }
0x97: {  	_ =	strace $0x8FFFFFFF  }
0x98: {  	s18 =	sld [smem:$0x3FDB];
	_ =	sdelay $0x1  }
0x99: {  	s19 =	simm.s32 $_scs_section_size  }
0x9a: {  	s4 =	simm.s32 $_size__tile_overlayer_lowered;
	s5 =	simm.s32 $_tile_overlayer_lowered  }
0x9b: {  	s22 =	simm.s32 $0x1BFF;
	s21 =	sshll.u32 s5, $0x1;
	s2 =	sadd.s32 s19, s18  }
0x9c: {  	s6 =	simm.s32 $0x0;
	s20 =	sshll.u32 s4, $0x1;
	s4 =	sadd.s32 s21, s2  }
0x9d: {  	[timem:s6], [sflag:s22] =	dma.local [hbm:s4], s20  }
0x9e: {  	_ =	swait.ge [sflag:s22], s20  }
0x9f: {  	s3 =	ssub.s32 $0x0, s20;
	[sflag:s22] =	ssyncset.done $0x0  }
0xa0: {  	[sflag:s22] =	ssyncadd.s32 s3;
	_ =	sdelay $0x1  }
0xa1: {  	s23 =	simm.s32 $0x1B8B  }
0xa2: {  	_ =	swait.ge [sflag:s23], $0x1  }
0xa3: {  	[sflag:s23] =	ssyncset.done $0x0  }
0xa4: {  	s25 =	simm.s32 $0x1B8E;
	s24 =	sld [smem:$0x3FFE];
	[sflag:s23] =	ssyncadd.s32 $0xFFFFFFFF  }
0xa5: {  	s26 =	simm.s32 $execute0_lowered;
	[smem:$0x3FD2] =	sst s25  }
0xa6: {  	s4 =	sshll.u32 s26, $0x1;
	_ =	strace $0x80000046;
	[dreg:$0x1] =	wrdreg $0xFFFFFFFF  }
0xa7: {  	s28 =	simm.s32 $_size_execute0_lowered;
	s2 =	sadd.s32 s2, s4;
	[dreg:$0x0] =	wrdreg $0x0  }
0xa8: {  	s4 =	sshll.u32 s28, $0x1;
	[dreg:$0x2] =	wrdreg s2  }
0xa9: {  	[dreg:$0x3] =	wrdreg s4  }
0xaa: {  	[dreg:$0x4] =	wrdreg $0xC0  }
0xab: {  	_ =	task [dreg:s6], $0x5FFFF  }
0xac: {  	[dreg:$0x1] =	wrdreg $0xFFFFFFFF  }
0xad: {  	[dreg:$0x0] =	wrdreg $0x60  }
0xae: {  	[dreg:$0x2] =	wrdreg s24  }
0xaf: {  	[dreg:$0x3] =	wrdreg $0xBC000  }
0xb0: {  	[dreg:$0x4] =	wrdreg $0x9  }
0xb1: {  	_ =	task.clear_ibuf [dreg:s6], $0x5FFFF;
	_ =	strace $0x90000046  }
0xb2: {  	s29 =	simm.s32 $0x9;
	_ =	strace $0x80000048  }
0xb3: {  	_ =	swait.ge [sflag:s29], $0x1  }
0xb4: {  	[sflag:s29] =	ssyncadd.s32 $0xFFFFFFFF  }
0xb5: {  	_ =	strace $0x90000048  }
0xb6: {  	_ =	sfence  }
0xb7: {  	s30 =	sld [smem:$0x0];
	_ =	sdelay $0x2  }
0xb8: {  	s31 =	sshll.u32 s1, $0xD;
	s1 =	sshrl.u32 s1, $0x2  }
0xb9: {  	s3 =	sand.u32 $0x4000, s31;
	s1 =	sadd.s32 s1, s30  }
0xba: {  	s0 =	sor.u32 s3, s0;
	s1 =	sshll.u32 s1, $0x11  }
0xbb: {  	s0 =	sor.u32 s1, s0  }
0xbc: {  	s0 =	sadd.s32 $0x8F2B, s0  }
0xbd: {  	[sflag:s0] =	ssyncadd.remote.s32 $0x1  }
0xbe: {  	_ =	sfence.sel $0xFFFF  }
0xbf: {  	[dreg:$0x0] =	wrdreg $0xFFFFFFFF;
	(pc) =	sbr.abs _section_cstart, $3  }
0xc0: {  	[dreg:$0x1] =	wrdreg $0xFFFFFFFF  }
0xc1: {  	_ =	task.clear_ibuf [dreg:s6], $0x2FFFF;
	_ =	strace $0x9FFFFFFF  }
0xc2: {  	(tm) =	ssettm $0x7FFFFFFF  }
0xc3: {  	_ =	shalt  }
tec
execute0_lowered:
.L_overlay_start_1:
0x0: {  	(tag) =	ssettag $0x1  }
0x1: {  	s0 =	srdreg.scid;
	s7 =	rddreg [dreg:$0x0]  }
0x2: {  	s2 =	rddreg [dreg:$0x1];
	s3 =	simm.s32 $0x0;
	s16 =	simm.s32 $0x60  }
0x3: {  	s17 =	simm.s32 $0x5C00;
	s18 =	simm.s32 $0x8C00;
	s19 =	simm.s32 $0x1  }
0x4: {  	s20 =	simm.s32 $0x2;
	s21 =	simm.s32 $0x5A80;
	s22 =	simm.s32 $0x5B00  }
0x5: {  	s23 =	simm.s32 $0x10;
	s24 =	simm.s32 $0x2700;
	s6 =	sand.u32 $0x1, s0  }
0x6: {  	s25 =	simm.s32 $0x0;
	s0 =	stileid.u32;
	s10 =	smul.u32 $0x138800, s6  }
0x7: {  	[smem:$0x7FF] =	sst s3;
	s1 =	sshll.u32 s6, $0x4;
	s11 =	smul.u32 $0x1F400, s0  }
0x8: {  	s9 =	sshll.u32 s0, $0x4;
	s6 =	ssub.s32 $0x2, s6;
	s28 =	smul.u32 $0x7D000, s0  }
0x9: {  	p0 =	sgt.u32 s0, $0x9;
	s8 =	sor.u32 s0, s1;
	s1 =	rddreg [dreg:$0x2]  }
0xa: {  	_ =	strace $0x80000047;
	s9 =	sand.u32 $0x70, s9;
	s4 =	smul.u32 $0x4E2, s8  }
0xb: {  	s29 =	sshrl.u32 s6, $0x1;
	s5 =	smul.u32 $0x680, s8;
	s9 =	sadd.s32 s9, s7  }
0xc: {  	s10 =	sadd.s32 s11, s10;
	s8 =	sshll.u32 s8, $0x4;
	s14 =	ssub.s32 s6, s29  }
0xd: {  	s30 =	sshrl.u32 s28, $0x2;
	s11 =	sshll.u32 @!p0 s0, $0x6;
	s10 =	sshrl.u32 s10, $0x3  }
0xe: {  	s31 =	sand.u32 $0x180, s8;
	s15 =	sadd.s32 s30, s2;
	s11 =	sor.u32 @!p0 $0x1C03, s11  }
0xf: {  	s12 =	sadd.s32 s4, s7;
	s13 =	sadd.s32 s5, s7;
	s4 =	sadd.s32 $0x22800, s7  }
0x10: {  	s5 =	sadd.s32 $0x49A00, s7;
	s10 =	sadd.s32 s10, s7;
	s8 =	sadd.s32 s31, s9  }
0x11: {  	s6 =	sadd.s32 $0x1A00, s12;
	s7 =	sadd.s32 $0x15800, s13;
	s8 =	sadd.s32 $0x15600, s8  }
0x12: {  	s9 =	sadd.s32 $0x4DA00, s10;
	s10 =	smax.u32 s14, $0x1;
	s12 =	sshrl.u32 @!p0 s15, $0x3  }
0x13: {  	s13 =	simm.s32 $0x3;
	s14 =	simm.s32 $0x2780;
	s15 =	simm.s32 $0x5B80  }
.LBB2_1:
0x14: {  	[spmem:s12], [sflag:s11] =	dma.local @!p0 [hbm:s5], $0x3E80  }
0x15: {  	s26 =	simm.s32 @!p0 $0x3  }
0x16: {  	_ =	swait.ge @!p0 [sflag:s26], $0x3E80  }
0x17: {  	[sflag:s26] =	ssyncset.done @!p0 $0x0  }
0x18: {  	[sflag:s26] =	ssyncadd.s32 @!p0 $0xFFFFC180  }
0x19: {  	[tilespmem:s3], [sflag:$0x3] =	stream.linear.gather [hbm4b:s6+s3], $0x2710, $0x38;
	[tilespmem:$0x1F480] =	vst v63  }
0x1a: {  	_ =	swait.ge [sflag:s13], $0x2710  }
0x1b: {  	[sflag:s13] =	ssyncset.done $0x0  }
0x1c: {  	[sflag:s13] =	ssyncadd.s32 $0xFFFFD8F0  }
0x1d: {  	[tilespmem:s14], [sflag:$0x3] =	stream.linear.gather [hbm4b:s7+s3], $0x3400, $0x38;
	[tilespmem:$0x1F480] =	vst v63  }
0x1e: {  	_ =	swait.ge [sflag:s13], $0x3400  }
0x1f: {  	[sflag:s13] =	ssyncset.done $0x0  }
0x20: {  	[sflag:s13] =	ssyncadd.s32 $0xFFFFCC00  }
0x21: {  	[tilespmem:s15], [sflag:$0x3] =	stream.linear.gather [hbm4b:s8+s3], $0x80, $0x38;
	[tilespmem:$0x1F480] =	vst v63  }
0x22: {  	_ =	swait.ge [sflag:s13], $0x80  }
0x23: {  	[sflag:s13] =	ssyncset.done $0x0  }
0x24: {  	[sflag:s13] =	ssyncadd.s32 $0xFFFFFF80  }
0x25: {  	[bflag:$0x0] =	sbarrier.arrive $0xFFFF  }
0x26: {  	[tilespmem:s17], [sflag:$0x1] =	stream.indirect.gather [hbm4b:s4+s16], $0x80, s3, s16, $0xb8;
	[tilespmem:$0x1F480] =	vst v63  }
0x27: {  	_ = 	snop  }
0x28: {  	[tilespmem:s18], [sflag:$0x2] =	stream.indirect.gather [hbm4b:s4+s16], $0x80, s16, s16, $0xb8;
	[tilespmem:$0x1F480] =	vst v63  }
0x29: {  	_ =	swait.ge [sflag:s19], $0x3000  }
0x2a: {  	[sflag:s19] =	ssyncset.done $0x0  }
0x2b: {  	s31 =	simm.s32 $0x2780;
	[sflag:s19] =	ssyncadd.s32 $0xFFFFD000  }
0x2c: {  	[spmem:s2] =	stream.indirect.scatter.add.f32 [tilespmem:s17], [sflag:$0x3], $0x80, s31, s16, $0xb8;
	[tilespmem:$0x1F480] =	vst v63  }
0x2d: {  	_ =	swait.ge [sflag:s13], $0x3000  }
0x2e: {  	[sflag:s13] =	ssyncset.done $0x0  }
0x2f: {  	s30 =	simm.s32 $0xC0;
	[sflag:s13] =	ssyncadd.s32 $0xFFFFD000  }
0x30: {  	[tilespmem:s17], [sflag:$0x1] =	stream.indirect.gather [hbm4b:s4+s16], $0x80, s30, s16, $0xb8;
	[tilespmem:$0x1F480] =	vst v63  }
0x31: {  	_ =	swait.ge [sflag:s20], $0x3000  }
0x32: {  	[sflag:s20] =	ssyncset.done $0x0  }
0x33: {  	s31 =	simm.s32 $0x2800;
	[sflag:s20] =	ssyncadd.s32 $0xFFFFD000  }
0x34: {  	[spmem:s2] =	stream.indirect.scatter.add.f32 [tilespmem:s18], [sflag:$0x3], $0x80, s31, s16, $0xb8;
	[tilespmem:$0x1F480] =	vst v63  }
0x35: {  	_ =	swait.ge [sflag:s13], $0x3000  }
0x36: {  	s28 =	simm.s32 $0x400;
	[sflag:s13] =	ssyncset.done $0x0  }
0x37: {  	s29 =	simm.s32 $0x1E0;
	s26 =	simm.s32 $0x120;
	[sflag:s13] =	ssyncadd.s32 $0xFFFFD000  }
.LBB2_2:
0x38: {  	[tilespmem:s18], [sflag:$0x2] =	stream.indirect.gather [hbm4b:s4+s16], $0x80, s26, s16, $0xb8;
	[tilespmem:$0x1F480] =	vst v63  }
0x39: {  	s30 =	smov.u32 s28;
	s26 =	smov.u32 s29  }
0x3a: {  	p1 =	sne.s32 s28, $0xC800;
	s28 =	sadd.s32 $0x400, s28;
	_ =	swait.ge [sflag:s19], $0x3000  }
0x3b: {  	s30 =	sshra.s32 s30, $0x2;
	[sflag:s19] =	ssyncset.done $0x0  }
0x3c: {  	s31 =	sadd.s32 $0x2780, s30;
	[sflag:s19] =	ssyncadd.s32 $0xFFFFD000  }
0x3d: {  	[spmem:s2] =	stream.indirect.scatter.add.f32 [tilespmem:s17], [sflag:$0x3], $0x80, s31, s16, $0xb8;
	[tilespmem:$0x1F480] =	vst v63  }
0x3e: {  	_ =	swait.ge [sflag:s13], $0x3000  }
0x3f: {  	[sflag:s13] =	ssyncset.done $0x0  }
0x40: {  	s31 =	sadd.s32 $0xFFFFFFA0, s29;
	[sflag:s13] =	ssyncadd.s32 $0xFFFFD000  }
0x41: {  	[tilespmem:s17], [sflag:$0x1] =	stream.indirect.gather [hbm4b:s4+s16], $0x80, s31, s16, $0xb8;
	[tilespmem:$0x1F480] =	vst v63  }
0x42: {  	_ =	swait.ge [sflag:s20], $0x3000  }
0x43: {  	[sflag:s20] =	ssyncset.done $0x0  }
.Ltmp0:
0x44: {  	s30 =	sadd.s32 $0x2800, s30;
	[sflag:s20] =	ssyncadd.s32 $0xFFFFD000;
	(pc) =	sbr.rel @p1 .LBB2_2-.Ltmp0, $4  }
0x45: {  	[spmem:s2] =	stream.indirect.scatter.add.f32 [tilespmem:s18], [sflag:$0x3], $0x80, s30, s16, $0xb8;
	[tilespmem:$0x1F480] =	vst v63  }
0x46: {  	_ =	swait.ge [sflag:s13], $0x3000  }
0x47: {  	[sflag:s13] =	ssyncset.done $0x0  }
0x48: {  	s29 =	sadd.s32 $0xC0, s29;
	[sflag:s13] =	ssyncadd.s32 $0xFFFFD000  }
0x49: {  	[tilespmem:s18], [sflag:$0x2] =	stream.indirect.gather [hbm4b:s4+s16], $0x80, s26, s16, $0xb8;
	[tilespmem:$0x1F480] =	vst v63  }
0x4a: {  	_ =	swait.ge [sflag:s19], $0x3000  }
0x4b: {  	[sflag:s19] =	ssyncset.done $0x0  }
0x4c: {  	[sflag:s19] =	ssyncadd.s32 $0xFFFFD000  }
0x4d: {  	[spmem:s2] =	stream.indirect.scatter.add.f32 [tilespmem:s17], [sflag:$0x3], $0x80, s21, s16, $0xb8;
	[tilespmem:$0x1F480] =	vst v63  }
0x4e: {  	_ =	swait.ge [sflag:s13], $0x3000  }
0x4f: {  	[sflag:s13] =	ssyncset.done $0x0  }
0x50: {  	[sflag:s13] =	ssyncadd.s32 $0xFFFFD000  }
0x51: {  	_ =	swait.ge [sflag:s20], $0x3000  }
0x52: {  	[sflag:s20] =	ssyncset.done $0x0  }
0x53: {  	[sflag:s20] =	ssyncadd.s32 $0xFFFFD000  }
0x54: {  	[spmem:s2] =	stream.indirect.scatter.add.f32 [tilespmem:s18], [sflag:$0x3], $0x80, s22, s16, $0xb8;
	[tilespmem:$0x1F480] =	vst v63  }
0x55: {  	_ =	swait.ge [sflag:s13], $0x3000  }
0x56: {  	[sflag:s13] =	ssyncset.done $0x0  }
0x57: {  	[sflag:s13] =	ssyncadd.s32 $0xFFFFD000  }
0x58: {  	[tilespmem:s17], [sflag:$0x1] =	stream.indirect.gather [hbm4b:s4+s23], $0x80, s24, s23, $0xb8;
	[tilespmem:$0x1F480] =	vst v63  }
0x59: {  	_ =	swait.ge [sflag:s19], $0x800  }
0x5a: {  	[sflag:s19] =	ssyncset.done $0x0  }
0x5b: {  	[sflag:s19] =	ssyncadd.s32 $0xFFFFF800  }
0x5c: {  	[spmem:s2] =	stream.indirect.scatter.add.f32 [tilespmem:s17], [sflag:$0x3], $0x80, s15, s23, $0xb8;
	[tilespmem:$0x1F480] =	vst v63  }
0x5d: {  	_ =	swait.ge [sflag:s13], $0x800  }
0x5e: {  	s25 =	sadd.s32 $0x1, s25;
	[sflag:s13] =	ssyncset.done $0x0  }
0x5f: {  	p1 =	sne.s32 s25, s10;
	[sflag:s13] =	ssyncadd.s32 $0xFFFFF800  }
.Ltmp1:
0x60: {  	s26 =	simm.s32 @!p0 $0x3;
	[bflag:$0x0] =	sbarrier.arrive $0xFFFF;
	(pc) =	sbr.rel @p1 .LBB2_1-.Ltmp1, $4  }
0x61: {  	[hbm:s9], [sflag:s11] =	dma.local @!p0 [spmem:s12], $0x3E80  }
0x62: {  	_ =	swait.ge @!p0 [sflag:s26], $0x3E80  }
0x63: {  	[sflag:s26] =	ssyncset.done @!p0 $0x0  }
0x64: {  	[sflag:s26] =	ssyncadd.s32 @!p0 $0xFFFFC180  }
0x65: {  	_ =	sfence.sel $0x180000  }
0x66: {  	[bflag:$0x0] =	sbarrier.arrive $0xFFFF  }
0x67: {  	p0 =	sne.s32 s0, $0x0;
	_ =	strace $0x90000047  }
0x68: {  	s0 =	sadd.s32 @!p0 $0x100000, s1;
	[bflag:$0x2] =	sbarrier.arrive $0xFFFF  }
0x69: {  	[sflag:s0] =	ssyncadd.tile.s32 @!p0 $0x1;
	_ =	shalt  }
.Lfunc_end2:
_tile_overlayer_lowered:
.L_overlay_start_2:
0x6a: {  	(tag) =	ssettag $0x2  }
0x6b: {  	s0 =	rddreg [dreg:$0x0];
	s2 =	stileid.u32  }
0x6c: {  	s1 =	rddreg [dreg:$0x1];
	p0 =	sne.s32 s2, $0x0  }
0x6d: {  	s3 =	rddreg [dreg:$0x2];
	[bflag:$0x3] =	sbarrier.arrive $0xFFFF;
	s2 =	simm.s32 @!p0 $0x1C03  }
0x6e: {  	[timem:s3], [sflag:s2] =	dma.local @!p0 [hbm:s0], s1  }
0x6f: {  	s0 =	simm.s32 @!p0 $0x3  }
0x70: {  	_ =	swait.ge @!p0 [sflag:s0], s1  }
0x71: {  	s1 =	ssub.s32 @!p0 $0x0, s1;
	[sflag:s0] =	ssyncset.done @!p0 $0x0  }
0x72: {  	[sflag:s0] =	ssyncadd.s32 @!p0 s1  }
0x73: {  	[bflag:$0x3] =	sbarrier.arrive $0xFFFF  }
0x74: {  	_ =	shalt  }

</sc_bundles>
